<compile_context>
chip_gen: v7x
topology: tpu7x:2x2x1
jax: 0.10.2.dev20260603
libtpu: 0.0.44.dev20260713+nightly
codegen_flags: <defaults>
</compile_context>

<pallas_src>
import functools

import jax
import jax.numpy as jnp
from jax import lax
from jax.experimental import pallas as pl
from jax.experimental.pallas import tpu as pltpu
from jax.experimental.pallas import tpu_sc as plsc

FEATURES = 1024
BATCH = 4
SEQ_LEN = 4096


@functools.lru_cache(maxsize=None)
def _make_gather(B, D):
    info = plsc.get_sparse_core_info()
    NC, NS = info.num_cores, info.num_subcores
    NW = NC * NS
    b_per_w = B // NW
    C = 32
    n_chunks = b_per_w // C
    NBUF = 3
    G = 2
    mesh = plsc.VectorSubcoreMesh(core_axis_name="c", subcore_axis_name="s")

    @functools.partial(
        pl.kernel,
        mesh=mesh,
        out_type=jax.ShapeDtypeStruct((B, D), jnp.float32),
        scratch_types=[
            pltpu.VMEM((b_per_w,), jnp.int32),
            [pltpu.VMEM((C, D), jnp.float32) for _ in range(NBUF)],
            pltpu.SemaphoreType.DMA,
            pltpu.SemaphoreType.DMA,
        ],
    )
    def gather_kernel(idx_hbm, table_hbm, out_hbm, idx_v, rows, gsem, wsem):
        wid = lax.axis_index("s") * NC + lax.axis_index("c")
        base = wid * b_per_w
        pltpu.sync_copy(idx_hbm.at[pl.ds(base, b_per_w)], idx_v)

        def gather(c):
            return pltpu.async_copy(
                table_hbm.at[idx_v.at[pl.ds(c * C, C)]], rows[c % NBUF], gsem
            )

        g = [None] * n_chunks
        w = [None] * n_chunks
        w_drained = [False] * n_chunks
        for c in range(min(G, n_chunks)):
            g[c] = gather(c)
        for c in range(n_chunks):
            g[c].wait()
            w[c] = pltpu.async_copy(
                rows[c % NBUF], out_hbm.at[pl.ds(base + c * C, C)], wsem
            )
            nxt = c + G
            if nxt < n_chunks:
                prev = nxt - NBUF
                if prev >= 0:
                    w[prev].wait()
                    w_drained[prev] = True
                g[nxt] = gather(nxt)
        for c in range(n_chunks):
            if not w_drained[c]:
                w[c].wait()

    return gather_kernel


def kernel(inputs, embedding):
    B = inputs.shape[0] * inputs.shape[1]
    D = embedding.shape[1]
    flat_idx = inputs.reshape(B)
    out = _make_gather(B, D)(flat_idx, embedding)
    return out.reshape(inputs.shape[0], inputs.shape[1], D)

# --- scband reference (transcript-rebuilt; emitter-appended) ---
"""Pipeline reference for scband-fixed-embed-56014963474467 (READ-ONLY COPY).

The authoritative reference and input builder live on the scoring server;
editing this copy changes nothing except your own understanding.
"""

import jax, jax.numpy as jnp
import numpy as np

FEATURES = 1024
MAX_LENGTH = 4096
BATCH = 4
SEQ_LEN = 4096

def sinusoidal(max_len, features, min_scale=1.0, max_scale=10000.0):
    pe = np.zeros((max_len, features), dtype=np.float32)
    position = np.arange(0, max_len)[:, None].astype(np.float32)
    scale_factor = -np.log(max_scale / min_scale) / (features // 2 - 1)
    div_term = (min_scale * np.exp(np.arange(0, features // 2).astype(np.float32) * scale_factor)).astype(np.float32)
    pe[:, :features // 2] = np.sin(position * div_term)
    pe[:, features // 2:2 * (features // 2)] = np.cos(position * div_term)
    return jnp.asarray(pe)

def setup_inputs(seed: int = 0) -> dict:
    key = jax.random.key(seed)
    inputs = jax.random.randint(key, (BATCH, SEQ_LEN), 0, MAX_LENGTH, dtype=jnp.int32)
    embedding = sinusoidal(MAX_LENGTH, FEATURES)
    return {"inputs": inputs, "embedding": embedding}

def reference(inputs, embedding):
    # FixedEmbed.forward with decode=False: self.embedding[inputs, :]
    return jnp.take(embedding, inputs, axis=0)

if __name__ == "__main__":
    import jax
    _d = setup_inputs()
    print(jax.jit(kernel)(*tuple(_d.values())))

</pallas_src>

<mosaic_0001>
#map = affine_map<(d0, d1) -> (0)>
#map1 = affine_map<(d0, d1) -> (0, 0)>
module attributes {stable_mosaic.version = 14 : i64} {
  func.func @gather_kernel(%arg0: i32, %arg1: i32, %arg2: memref<16384xi32, #tpu.memory_space<hbm>>, %arg3: memref<4096x1024xf32, #tpu.memory_space<hbm>>, %arg4: memref<16384x1024xf32, #tpu.memory_space<hbm>>, %arg5: memref<512xi32, #tpu.memory_space<vmem>>, %arg6: memref<32x1024xf32, #tpu.memory_space<vmem>>, %arg7: memref<32x1024xf32, #tpu.memory_space<vmem>>, %arg8: memref<32x1024xf32, #tpu.memory_space<vmem>>, %arg9: memref<!tpu.dma_semaphore, #tpu.memory_space<semaphore_mem>>, %arg10: memref<!tpu.dma_semaphore, #tpu.memory_space<semaphore_mem>>) attributes {dimension_semantics = [#tpu.dimension_semantics<core_parallel>, #tpu.dimension_semantics<subcore_parallel>], iteration_bounds = array<i64: 2, 16>, scalar_prefetch = 0 : i64, scratch_operands = 6 : i64, tpu.core_type = #tpu.core_type<sc_vector_subcore>, window_params = [{transform_indices = #map}, {transform_indices = #map1}, {transform_indices = #map1}]} {
    %mul3A = arith.constant 2 : i32
    %mul3A_0 = arith.muli %arg1, %mul3A : i32
    %add3A = arith.addi %mul3A_0, %arg0 : i32
    %mul3A_1 = arith.constant 512 : i32
    %mul3A_2 = arith.muli %add3A, %mul3A_1 : i32
    "tpu.region"() ({
      %run_scoped3A = tpu.sem_alloc : memref<!tpu.dma_semaphore, #tpu.memory_space<semaphore_mem>>
      %dma_start3A_321 = tpu.memref_slice %arg2[%mul3A_2] : memref<16384xi32, #tpu.memory_space<hbm>> -> memref<512xi32, #tpu.memory_space<hbm>>
      %dma_start3A_322 = tpu.memref_slice %arg2[%mul3A_2] : memref<16384xi32, #tpu.memory_space<hbm>> -> memref<512xi32, #tpu.memory_space<hbm>>
      tpu.enqueue_dma source(%dma_start3A_322 : memref<512xi32, #tpu.memory_space<hbm>>) target(%arg5 : memref<512xi32, #tpu.memory_space<vmem>>) target_semaphore(%run_scoped3A : memref<!tpu.dma_semaphore, #tpu.memory_space<semaphore_mem>>)
      %dma_wait3A_323 = tpu.memref_slice %arg2[%mul3A_2] : memref<16384xi32, #tpu.memory_space<hbm>> -> memref<512xi32, #tpu.memory_space<hbm>>
      %dma_wait3A_324 = tpu.memref_slice %arg2[%mul3A_2] : memref<16384xi32, #tpu.memory_space<hbm>> -> memref<512xi32, #tpu.memory_space<hbm>>
      tpu.wait_dma2 semaphore(%run_scoped3A : memref<!tpu.dma_semaphore, #tpu.memory_space<semaphore_mem>>) src(%dma_wait3A_324 : memref<512xi32, #tpu.memory_space<hbm>>) dst(%arg5 : memref<512xi32, #tpu.memory_space<vmem>>)
      tpu.yield
    }) : () -> ()
    %dma_start3A = arith.constant 0 : i32
    %dma_start3A_3 = tpu.memref_slice %arg5[%dma_start3A] : memref<512xi32, #tpu.memory_space<vmem>> -> memref<32xi32, #tpu.memory_space<vmem>>
    %dma_start3A_4 = arith.constant 0 : i32
    %dma_start3A_5 = arith.constant 0 : i32
    %dma_start3A_6 = tpu.memref_slice %arg3[%dma_start3A_4, %dma_start3A_5] : memref<4096x1024xf32, #tpu.memory_space<hbm>> -> memref<4096x1024xf32, #tpu.memory_space<hbm>>
    tpu.enqueue_indirect_dma source(%dma_start3A_6 : memref<4096x1024xf32, #tpu.memory_space<hbm>>) target(%arg6 : memref<32x1024xf32, #tpu.memory_space<vmem>>) offsets(%dma_start3A_3 : memref<32xi32, #tpu.memory_space<vmem>>) semaphore(%arg9 : memref<!tpu.dma_semaphore, #tpu.memory_space<semaphore_mem>>)
    %dma_start3A_7 = arith.constant 32 : i32
    %dma_start3A_8 = tpu.memref_slice %arg5[%dma_start3A_7] : memref<512xi32, #tpu.memory_space<vmem>> -> memref<32xi32, #tpu.memory_space<vmem>>
    %dma_start3A_9 = arith.constant 0 : i32
    %dma_start3A_10 = arith.constant 0 : i32
    %dma_start3A_11 = tpu.memref_slice %arg3[%dma_start3A_9, %dma_start3A_10] : memref<4096x1024xf32, #tpu.memory_space<hbm>> -> memref<4096x1024xf32, #tpu.memory_space<hbm>>
    tpu.enqueue_indirect_dma source(%dma_start3A_11 : memref<4096x1024xf32, #tpu.memory_space<hbm>>) target(%arg7 : memref<32x1024xf32, #tpu.memory_space<vmem>>) offsets(%dma_start3A_8 : memref<32xi32, #tpu.memory_space<vmem>>) semaphore(%arg9 : memref<!tpu.dma_semaphore, #tpu.memory_space<semaphore_mem>>)
    %dma_wait3A = arith.constant 0 : i32
    %dma_wait3A_12 = tpu.memref_slice %arg5[%dma_wait3A] : memref<512xi32, #tpu.memory_space<vmem>> -> memref<32xi32, #tpu.memory_space<vmem>>
    %dma_wait3A_13 = arith.constant 0 : i32
    %dma_wait3A_14 = arith.constant 0 : i32
    %dma_wait3A_15 = tpu.memref_slice %arg3[%dma_wait3A_13, %dma_wait3A_14] : memref<4096x1024xf32, #tpu.memory_space<hbm>> -> memref<4096x1024xf32, #tpu.memory_space<hbm>>
    tpu.wait_indirect_dma semaphore(%arg9 : memref<!tpu.dma_semaphore, #tpu.memory_space<semaphore_mem>>) src(%dma_wait3A_15 : memref<4096x1024xf32, #tpu.memory_space<hbm>>) dst(%arg6 : memref<32x1024xf32, #tpu.memory_space<vmem>>)
    %add3A_16 = arith.constant 0 : i32
    %add3A_17 = arith.addi %mul3A_2, %add3A_16 : i32
    %dma_start3A_18 = arith.constant 0 : i32
    %dma_start3A_19 = tpu.memref_slice %arg4[%add3A_17, %dma_start3A_18] : memref<16384x1024xf32, #tpu.memory_space<hbm>> -> memref<32x1024xf32, #tpu.memory_space<hbm>>
    %dma_start3A_20 = arith.constant 0 : i32
    %dma_start3A_21 = tpu.memref_slice %arg4[%add3A_17, %dma_start3A_20] : memref<16384x1024xf32, #tpu.memory_space<hbm>> -> memref<32x1024xf32, #tpu.memory_space<hbm>>
    tpu.enqueue_dma source(%arg6 : memref<32x1024xf32, #tpu.memory_space<vmem>>) target(%dma_start3A_21 : memref<32x1024xf32, #tpu.memory_space<hbm>>) target_semaphore(%arg10 : memref<!tpu.dma_semaphore, #tpu.memory_space<semaphore_mem>>)
    %dma_start3A_22 = arith.constant 64 : i32
    %dma_start3A_23 = tpu.memref_slice %arg5[%dma_start3A_22] : memref<512xi32, #tpu.memory_space<vmem>> -> memref<32xi32, #tpu.memory_space<vmem>>
    %dma_start3A_24 = arith.constant 0 : i32
    %dma_start3A_25 = arith.constant 0 : i32
    %dma_start3A_26 = tpu.memref_slice %arg3[%dma_start3A_24, %dma_start3A_25] : memref<4096x1024xf32, #tpu.memory_space<hbm>> -> memref<4096x1024xf32, #tpu.memory_space<hbm>>
    tpu.enqueue_indirect_dma source(%dma_start3A_26 : memref<4096x1024xf32, #tpu.memory_space<hbm>>) target(%arg8 : memref<32x1024xf32, #tpu.memory_space<vmem>>) offsets(%dma_start3A_23 : memref<32xi32, #tpu.memory_space<vmem>>) semaphore(%arg9 : memref<!tpu.dma_semaphore, #tpu.memory_space<semaphore_mem>>)
    %dma_wait3A_27 = arith.constant 32 : i32
    %dma_wait3A_28 = tpu.memref_slice %arg5[%dma_wait3A_27] : memref<512xi32, #tpu.memory_space<vmem>> -> memref<32xi32, #tpu.memory_space<vmem>>
    %dma_wait3A_29 = arith.constant 0 : i32
    %dma_wait3A_30 = arith.constant 0 : i32
    %dma_wait3A_31 = tpu.memref_slice %arg3[%dma_wait3A_29, %dma_wait3A_30] : memref<4096x1024xf32, #tpu.memory_space<hbm>> -> memref<4096x1024xf32, #tpu.memory_space<hbm>>
    tpu.wait_indirect_dma semaphore(%arg9 : memref<!tpu.dma_semaphore, #tpu.memory_space<semaphore_mem>>) src(%dma_wait3A_31 : memref<4096x1024xf32, #tpu.memory_space<hbm>>) dst(%arg7 : memref<32x1024xf32, #tpu.memory_space<vmem>>)
    %add3A_32 = arith.constant 32 : i32
    %add3A_33 = arith.addi %mul3A_2, %add3A_32 : i32
    %dma_start3A_34 = arith.constant 0 : i32
    %dma_start3A_35 = tpu.memref_slice %arg4[%add3A_33, %dma_start3A_34] : memref<16384x1024xf32, #tpu.memory_space<hbm>> -> memref<32x1024xf32, #tpu.memory_space<hbm>>
    %dma_start3A_36 = arith.constant 0 : i32
    %dma_start3A_37 = tpu.memref_slice %arg4[%add3A_33, %dma_start3A_36] : memref<16384x1024xf32, #tpu.memory_space<hbm>> -> memref<32x1024xf32, #tpu.memory_space<hbm>>
    tpu.enqueue_dma source(%arg7 : memref<32x1024xf32, #tpu.memory_space<vmem>>) target(%dma_start3A_37 : memref<32x1024xf32, #tpu.memory_space<hbm>>) target_semaphore(%arg10 : memref<!tpu.dma_semaphore, #tpu.memory_space<semaphore_mem>>)
    %dma_wait3A_38 = arith.constant 0 : i32
    %dma_wait3A_39 = tpu.memref_slice %arg4[%add3A_17, %dma_wait3A_38] : memref<16384x1024xf32, #tpu.memory_space<hbm>> -> memref<32x1024xf32, #tpu.memory_space<hbm>>
    %dma_wait3A_40 = arith.constant 0 : i32
    %dma_wait3A_41 = tpu.memref_slice %arg4[%add3A_17, %dma_wait3A_40] : memref<16384x1024xf32, #tpu.memory_space<hbm>> -> memref<32x1024xf32, #tpu.memory_space<hbm>>
    tpu.wait_dma2 semaphore(%arg10 : memref<!tpu.dma_semaphore, #tpu.memory_space<semaphore_mem>>) src(%arg6 : memref<32x1024xf32, #tpu.memory_space<vmem>>) dst(%dma_wait3A_41 : memref<32x1024xf32, #tpu.memory_space<hbm>>)
    %dma_start3A_42 = arith.constant 96 : i32
    %dma_start3A_43 = tpu.memref_slice %arg5[%dma_start3A_42] : memref<512xi32, #tpu.memory_space<vmem>> -> memref<32xi32, #tpu.memory_space<vmem>>
    %dma_start3A_44 = arith.constant 0 : i32
    %dma_start3A_45 = arith.constant 0 : i32
    %dma_start3A_46 = tpu.memref_slice %arg3[%dma_start3A_44, %dma_start3A_45] : memref<4096x1024xf32, #tpu.memory_space<hbm>> -> memref<4096x1024xf32, #tpu.memory_space<hbm>>
    tpu.enqueue_indirect_dma source(%dma_start3A_46 : memref<4096x1024xf32, #tpu.memory_space<hbm>>) target(%arg6 : memref<32x1024xf32, #tpu.memory_space<vmem>>) offsets(%dma_start3A_43 : memref<32xi32, #tpu.memory_space<vmem>>) semaphore(%arg9 : memref<!tpu.dma_semaphore, #tpu.memory_space<semaphore_mem>>)
    %dma_wait3A_47 = arith.constant 64 : i32
    %dma_wait3A_48 = tpu.memref_slice %arg5[%dma_wait3A_47] : memref<512xi32, #tpu.memory_space<vmem>> -> memref<32xi32, #tpu.memory_space<vmem>>
    %dma_wait3A_49 = arith.constant 0 : i32
    %dma_wait3A_50 = arith.constant 0 : i32
    %dma_wait3A_51 = tpu.memref_slice %arg3[%dma_wait3A_49, %dma_wait3A_50] : memref<4096x1024xf32, #tpu.memory_space<hbm>> -> memref<4096x1024xf32, #tpu.memory_space<hbm>>
    tpu.wait_indirect_dma semaphore(%arg9 : memref<!tpu.dma_semaphore, #tpu.memory_space<semaphore_mem>>) src(%dma_wait3A_51 : memref<4096x1024xf32, #tpu.memory_space<hbm>>) dst(%arg8 : memref<32x1024xf32, #tpu.memory_space<vmem>>)
    %add3A_52 = arith.constant 64 : i32
    %add3A_53 = arith.addi %mul3A_2, %add3A_52 : i32
    %dma_start3A_54 = arith.constant 0 : i32
    %dma_start3A_55 = tpu.memref_slice %arg4[%add3A_53, %dma_start3A_54] : memref<16384x1024xf32, #tpu.memory_space<hbm>> -> memref<32x1024xf32, #tpu.memory_space<hbm>>
    %dma_start3A_56 = arith.constant 0 : i32
    %dma_start3A_57 = tpu.memref_slice %arg4[%add3A_53, %dma_start3A_56] : memref<16384x1024xf32, #tpu.memory_space<hbm>> -> memref<32x1024xf32, #tpu.memory_space<hbm>>
    tpu.enqueue_dma source(%arg8 : memref<32x1024xf32, #tpu.memory_space<vmem>>) target(%dma_start3A_57 : memref<32x1024xf32, #tpu.memory_space<hbm>>) target_semaphore(%arg10 : memref<!tpu.dma_semaphore, #tpu.memory_space<semaphore_mem>>)
    %dma_wait3A_58 = arith.constant 0 : i32
    %dma_wait3A_59 = tpu.memref_slice %arg4[%add3A_33, %dma_wait3A_58] : memref<16384x1024xf32, #tpu.memory_space<hbm>> -> memref<32x1024xf32, #tpu.memory_space<hbm>>
    %dma_wait3A_60 = arith.constant 0 : i32
    %dma_wait3A_61 = tpu.memref_slice %arg4[%add3A_33, %dma_wait3A_60] : memref<16384x1024xf32, #tpu.memory_space<hbm>> -> memref<32x1024xf32, #tpu.memory_space<hbm>>
    tpu.wait_dma2 semaphore(%arg10 : memref<!tpu.dma_semaphore, #tpu.memory_space<semaphore_mem>>) src(%arg7 : memref<32x1024xf32, #tpu.memory_space<vmem>>) dst(%dma_wait3A_61 : memref<32x1024xf32, #tpu.memory_space<hbm>>)
    %dma_start3A_62 = arith.constant 128 : i32
    %dma_start3A_63 = tpu.memref_slice %arg5[%dma_start3A_62] : memref<512xi32, #tpu.memory_space<vmem>> -> memref<32xi32, #tpu.memory_space<vmem>>
    %dma_start3A_64 = arith.constant 0 : i32
    %dma_start3A_65 = arith.constant 0 : i32
    %dma_start3A_66 = tpu.memref_slice %arg3[%dma_start3A_64, %dma_start3A_65] : memref<4096x1024xf32, #tpu.memory_space<hbm>> -> memref<4096x1024xf32, #tpu.memory_space<hbm>>
    tpu.enqueue_indirect_dma source(%dma_start3A_66 : memref<4096x1024xf32, #tpu.memory_space<hbm>>) target(%arg7 : memref<32x1024xf32, #tpu.memory_space<vmem>>) offsets(%dma_start3A_63 : memref<32xi32, #tpu.memory_space<vmem>>) semaphore(%arg9 : memref<!tpu.dma_semaphore, #tpu.memory_space<semaphore_mem>>)
    %dma_wait3A_67 = arith.constant 96 : i32
    %dma_wait3A_68 = tpu.memref_slice %arg5[%dma_wait3A_67] : memref<512xi32, #tpu.memory_space<vmem>> -> memref<32xi32, #tpu.memory_space<vmem>>
    %dma_wait3A_69 = arith.constant 0 : i32
    %dma_wait3A_70 = arith.constant 0 : i32
    %dma_wait3A_71 = tpu.memref_slice %arg3[%dma_wait3A_69, %dma_wait3A_70] : memref<4096x1024xf32, #tpu.memory_space<hbm>> -> memref<4096x1024xf32, #tpu.memory_space<hbm>>
    tpu.wait_indirect_dma semaphore(%arg9 : memref<!tpu.dma_semaphore, #tpu.memory_space<semaphore_mem>>) src(%dma_wait3A_71 : memref<4096x1024xf32, #tpu.memory_space<hbm>>) dst(%arg6 : memref<32x1024xf32, #tpu.memory_space<vmem>>)
    %add3A_72 = arith.constant 96 : i32
    %add3A_73 = arith.addi %mul3A_2, %add3A_72 : i32
    %dma_start3A_74 = arith.constant 0 : i32
    %dma_start3A_75 = tpu.memref_slice %arg4[%add3A_73, %dma_start3A_74] : memref<16384x1024xf32, #tpu.memory_space<hbm>> -> memref<32x1024xf32, #tpu.memory_space<hbm>>
    %dma_start3A_76 = arith.constant 0 : i32
    %dma_start3A_77 = tpu.memref_slice %arg4[%add3A_73, %dma_start3A_76] : memref<16384x1024xf32, #tpu.memory_space<hbm>> -> memref<32x1024xf32, #tpu.memory_space<hbm>>
    tpu.enqueue_dma source(%arg6 : memref<32x1024xf32, #tpu.memory_space<vmem>>) target(%dma_start3A_77 : memref<32x1024xf32, #tpu.memory_space<hbm>>) target_semaphore(%arg10 : memref<!tpu.dma_semaphore, #tpu.memory_space<semaphore_mem>>)
    %dma_wait3A_78 = arith.constant 0 : i32
    %dma_wait3A_79 = tpu.memref_slice %arg4[%add3A_53, %dma_wait3A_78] : memref<16384x1024xf32, #tpu.memory_space<hbm>> -> memref<32x1024xf32, #tpu.memory_space<hbm>>
    %dma_wait3A_80 = arith.constant 0 : i32
    %dma_wait3A_81 = tpu.memref_slice %arg4[%add3A_53, %dma_wait3A_80] : memref<16384x1024xf32, #tpu.memory_space<hbm>> -> memref<32x1024xf32, #tpu.memory_space<hbm>>
    tpu.wait_dma2 semaphore(%arg10 : memref<!tpu.dma_semaphore, #tpu.memory_space<semaphore_mem>>) src(%arg8 : memref<32x1024xf32, #tpu.memory_space<vmem>>) dst(%dma_wait3A_81 : memref<32x1024xf32, #tpu.memory_space<hbm>>)
    %dma_start3A_82 = arith.constant 160 : i32
    %dma_start3A_83 = tpu.memref_slice %arg5[%dma_start3A_82] : memref<512xi32, #tpu.memory_space<vmem>> -> memref<32xi32, #tpu.memory_space<vmem>>
    %dma_start3A_84 = arith.constant 0 : i32
    %dma_start3A_85 = arith.constant 0 : i32
    %dma_start3A_86 = tpu.memref_slice %arg3[%dma_start3A_84, %dma_start3A_85] : memref<4096x1024xf32, #tpu.memory_space<hbm>> -> memref<4096x1024xf32, #tpu.memory_space<hbm>>
    tpu.enqueue_indirect_dma source(%dma_start3A_86 : memref<4096x1024xf32, #tpu.memory_space<hbm>>) target(%arg8 : memref<32x1024xf32, #tpu.memory_space<vmem>>) offsets(%dma_start3A_83 : memref<32xi32, #tpu.memory_space<vmem>>) semaphore(%arg9 : memref<!tpu.dma_semaphore, #tpu.memory_space<semaphore_mem>>)
    %dma_wait3A_87 = arith.constant 128 : i32
    %dma_wait3A_88 = tpu.memref_slice %arg5[%dma_wait3A_87] : memref<512xi32, #tpu.memory_space<vmem>> -> memref<32xi32, #tpu.memory_space<vmem>>
    %dma_wait3A_89 = arith.constant 0 : i32
    %dma_wait3A_90 = arith.constant 0 : i32
    %dma_wait3A_91 = tpu.memref_slice %arg3[%dma_wait3A_89, %dma_wait3A_90] : memref<4096x1024xf32, #tpu.memory_space<hbm>> -> memref<4096x1024xf32, #tpu.memory_space<hbm>>
    tpu.wait_indirect_dma semaphore(%arg9 : memref<!tpu.dma_semaphore, #tpu.memory_space<semaphore_mem>>) src(%dma_wait3A_91 : memref<4096x1024xf32, #tpu.memory_space<hbm>>) dst(%arg7 : memref<32x1024xf32, #tpu.memory_space<vmem>>)
    %add3A_92 = arith.constant 128 : i32
    %add3A_93 = arith.addi %mul3A_2, %add3A_92 : i32
    %dma_start3A_94 = arith.constant 0 : i32
    %dma_start3A_95 = tpu.memref_slice %arg4[%add3A_93, %dma_start3A_94] : memref<16384x1024xf32, #tpu.memory_space<hbm>> -> memref<32x1024xf32, #tpu.memory_space<hbm>>
    %dma_start3A_96 = arith.constant 0 : i32
    %dma_start3A_97 = tpu.memref_slice %arg4[%add3A_93, %dma_start3A_96] : memref<16384x1024xf32, #tpu.memory_space<hbm>> -> memref<32x1024xf32, #tpu.memory_space<hbm>>
    tpu.enqueue_dma source(%arg7 : memref<32x1024xf32, #tpu.memory_space<vmem>>) target(%dma_start3A_97 : memref<32x1024xf32, #tpu.memory_space<hbm>>) target_semaphore(%arg10 : memref<!tpu.dma_semaphore, #tpu.memory_space<semaphore_mem>>)
    %dma_wait3A_98 = arith.constant 0 : i32
    %dma_wait3A_99 = tpu.memref_slice %arg4[%add3A_73, %dma_wait3A_98] : memref<16384x1024xf32, #tpu.memory_space<hbm>> -> memref<32x1024xf32, #tpu.memory_space<hbm>>
    %dma_wait3A_100 = arith.constant 0 : i32
    %dma_wait3A_101 = tpu.memref_slice %arg4[%add3A_73, %dma_wait3A_100] : memref<16384x1024xf32, #tpu.memory_space<hbm>> -> memref<32x1024xf32, #tpu.memory_space<hbm>>
    tpu.wait_dma2 semaphore(%arg10 : memref<!tpu.dma_semaphore, #tpu.memory_space<semaphore_mem>>) src(%arg6 : memref<32x1024xf32, #tpu.memory_space<vmem>>) dst(%dma_wait3A_101 : memref<32x1024xf32, #tpu.memory_space<hbm>>)
    %dma_start3A_102 = arith.constant 192 : i32
    %dma_start3A_103 = tpu.memref_slice %arg5[%dma_start3A_102] : memref<512xi32, #tpu.memory_space<vmem>> -> memref<32xi32, #tpu.memory_space<vmem>>
    %dma_start3A_104 = arith.constant 0 : i32
    %dma_start3A_105 = arith.constant 0 : i32
    %dma_start3A_106 = tpu.memref_slice %arg3[%dma_start3A_104, %dma_start3A_105] : memref<4096x1024xf32, #tpu.memory_space<hbm>> -> memref<4096x1024xf32, #tpu.memory_space<hbm>>
    tpu.enqueue_indirect_dma source(%dma_start3A_106 : memref<4096x1024xf32, #tpu.memory_space<hbm>>) target(%arg6 : memref<32x1024xf32, #tpu.memory_space<vmem>>) offsets(%dma_start3A_103 : memref<32xi32, #tpu.memory_space<vmem>>) semaphore(%arg9 : memref<!tpu.dma_semaphore, #tpu.memory_space<semaphore_mem>>)
    %dma_wait3A_107 = arith.constant 160 : i32
    %dma_wait3A_108 = tpu.memref_slice %arg5[%dma_wait3A_107] : memref<512xi32, #tpu.memory_space<vmem>> -> memref<32xi32, #tpu.memory_space<vmem>>
    %dma_wait3A_109 = arith.constant 0 : i32
    %dma_wait3A_110 = arith.constant 0 : i32
    %dma_wait3A_111 = tpu.memref_slice %arg3[%dma_wait3A_109, %dma_wait3A_110] : memref<4096x1024xf32, #tpu.memory_space<hbm>> -> memref<4096x1024xf32, #tpu.memory_space<hbm>>
    tpu.wait_indirect_dma semaphore(%arg9 : memref<!tpu.dma_semaphore, #tpu.memory_space<semaphore_mem>>) src(%dma_wait3A_111 : memref<4096x1024xf32, #tpu.memory_space<hbm>>) dst(%arg8 : memref<32x1024xf32, #tpu.memory_space<vmem>>)
    %add3A_112 = arith.constant 160 : i32
    %add3A_113 = arith.addi %mul3A_2, %add3A_112 : i32
    %dma_start3A_114 = arith.constant 0 : i32
    %dma_start3A_115 = tpu.memref_slice %arg4[%add3A_113, %dma_start3A_114] : memref<16384x1024xf32, #tpu.memory_space<hbm>> -> memref<32x1024xf32, #tpu.memory_space<hbm>>
    %dma_start3A_116 = arith.constant 0 : i32
    %dma_start3A_117 = tpu.memref_slice %arg4[%add3A_113, %dma_start3A_116] : memref<16384x1024xf32, #tpu.memory_space<hbm>> -> memref<32x1024xf32, #tpu.memory_space<hbm>>
    tpu.enqueue_dma source(%arg8 : memref<32x1024xf32, #tpu.memory_space<vmem>>) target(%dma_start3A_117 : memref<32x1024xf32, #tpu.memory_space<hbm>>) target_semaphore(%arg10 : memref<!tpu.dma_semaphore, #tpu.memory_space<semaphore_mem>>)
    %dma_wait3A_118 = arith.constant 0 : i32
    %dma_wait3A_119 = tpu.memref_slice %arg4[%add3A_93, %dma_wait3A_118] : memref<16384x1024xf32, #tpu.memory_space<hbm>> -> memref<32x1024xf32, #tpu.memory_space<hbm>>
    %dma_wait3A_120 = arith.constant 0 : i32
    %dma_wait3A_121 = tpu.memref_slice %arg4[%add3A_93, %dma_wait3A_120] : memref<16384x1024xf32, #tpu.memory_space<hbm>> -> memref<32x1024xf32, #tpu.memory_space<hbm>>
    tpu.wait_dma2 semaphore(%arg10 : memref<!tpu.dma_semaphore, #tpu.memory_space<semaphore_mem>>) src(%arg7 : memref<32x1024xf32, #tpu.memory_space<vmem>>) dst(%dma_wait3A_121 : memref<32x1024xf32, #tpu.memory_space<hbm>>)
    %dma_start3A_122 = arith.constant 224 : i32
    %dma_start3A_123 = tpu.memref_slice %arg5[%dma_start3A_122] : memref<512xi32, #tpu.memory_space<vmem>> -> memref<32xi32, #tpu.memory_space<vmem>>
    %dma_start3A_124 = arith.constant 0 : i32
    %dma_start3A_125 = arith.constant 0 : i32
    %dma_start3A_126 = tpu.memref_slice %arg3[%dma_start3A_124, %dma_start3A_125] : memref<4096x1024xf32, #tpu.memory_space<hbm>> -> memref<4096x1024xf32, #tpu.memory_space<hbm>>
    tpu.enqueue_indirect_dma source(%dma_start3A_126 : memref<4096x1024xf32, #tpu.memory_space<hbm>>) target(%arg7 : memref<32x1024xf32, #tpu.memory_space<vmem>>) offsets(%dma_start3A_123 : memref<32xi32, #tpu.memory_space<vmem>>) semaphore(%arg9 : memref<!tpu.dma_semaphore, #tpu.memory_space<semaphore_mem>>)
    %dma_wait3A_127 = arith.constant 192 : i32
    %dma_wait3A_128 = tpu.memref_slice %arg5[%dma_wait3A_127] : memref<512xi32, #tpu.memory_space<vmem>> -> memref<32xi32, #tpu.memory_space<vmem>>
    %dma_wait3A_129 = arith.constant 0 : i32
    %dma_wait3A_130 = arith.constant 0 : i32
    %dma_wait3A_131 = tpu.memref_slice %arg3[%dma_wait3A_129, %dma_wait3A_130] : memref<4096x1024xf32, #tpu.memory_space<hbm>> -> memref<4096x1024xf32, #tpu.memory_space<hbm>>
    tpu.wait_indirect_dma semaphore(%arg9 : memref<!tpu.dma_semaphore, #tpu.memory_space<semaphore_mem>>) src(%dma_wait3A_131 : memref<4096x1024xf32, #tpu.memory_space<hbm>>) dst(%arg6 : memref<32x1024xf32, #tpu.memory_space<vmem>>)
    %add3A_132 = arith.constant 192 : i32
    %add3A_133 = arith.addi %mul3A_2, %add3A_132 : i32
    %dma_start3A_134 = arith.constant 0 : i32
    %dma_start3A_135 = tpu.memref_slice %arg4[%add3A_133, %dma_start3A_134] : memref<16384x1024xf32, #tpu.memory_space<hbm>> -> memref<32x1024xf32, #tpu.memory_space<hbm>>
    %dma_start3A_136 = arith.constant 0 : i32
    %dma_start3A_137 = tpu.memref_slice %arg4[%add3A_133, %dma_start3A_136] : memref<16384x1024xf32, #tpu.memory_space<hbm>> -> memref<32x1024xf32, #tpu.memory_space<hbm>>
    tpu.enqueue_dma source(%arg6 : memref<32x1024xf32, #tpu.memory_space<vmem>>) target(%dma_start3A_137 : memref<32x1024xf32, #tpu.memory_space<hbm>>) target_semaphore(%arg10 : memref<!tpu.dma_semaphore, #tpu.memory_space<semaphore_mem>>)
    %dma_wait3A_138 = arith.constant 0 : i32
    %dma_wait3A_139 = tpu.memref_slice %arg4[%add3A_113, %dma_wait3A_138] : memref<16384x1024xf32, #tpu.memory_space<hbm>> -> memref<32x1024xf32, #tpu.memory_space<hbm>>
    %dma_wait3A_140 = arith.constant 0 : i32
    %dma_wait3A_141 = tpu.memref_slice %arg4[%add3A_113, %dma_wait3A_140] : memref<16384x1024xf32, #tpu.memory_space<hbm>> -> memref<32x1024xf32, #tpu.memory_space<hbm>>
    tpu.wait_dma2 semaphore(%arg10 : memref<!tpu.dma_semaphore, #tpu.memory_space<semaphore_mem>>) src(%arg8 : memref<32x1024xf32, #tpu.memory_space<vmem>>) dst(%dma_wait3A_141 : memref<32x1024xf32, #tpu.memory_space<hbm>>)
    %dma_start3A_142 = arith.constant 256 : i32
    %dma_start3A_143 = tpu.memref_slice %arg5[%dma_start3A_142] : memref<512xi32, #tpu.memory_space<vmem>> -> memref<32xi32, #tpu.memory_space<vmem>>
    %dma_start3A_144 = arith.constant 0 : i32
    %dma_start3A_145 = arith.constant 0 : i32
    %dma_start3A_146 = tpu.memref_slice %arg3[%dma_start3A_144, %dma_start3A_145] : memref<4096x1024xf32, #tpu.memory_space<hbm>> -> memref<4096x1024xf32, #tpu.memory_space<hbm>>
    tpu.enqueue_indirect_dma source(%dma_start3A_146 : memref<4096x1024xf32, #tpu.memory_space<hbm>>) target(%arg8 : memref<32x1024xf32, #tpu.memory_space<vmem>>) offsets(%dma_start3A_143 : memref<32xi32, #tpu.memory_space<vmem>>) semaphore(%arg9 : memref<!tpu.dma_semaphore, #tpu.memory_space<semaphore_mem>>)
    %dma_wait3A_147 = arith.constant 224 : i32
    %dma_wait3A_148 = tpu.memref_slice %arg5[%dma_wait3A_147] : memref<512xi32, #tpu.memory_space<vmem>> -> memref<32xi32, #tpu.memory_space<vmem>>
    %dma_wait3A_149 = arith.constant 0 : i32
    %dma_wait3A_150 = arith.constant 0 : i32
    %dma_wait3A_151 = tpu.memref_slice %arg3[%dma_wait3A_149, %dma_wait3A_150] : memref<4096x1024xf32, #tpu.memory_space<hbm>> -> memref<4096x1024xf32, #tpu.memory_space<hbm>>
    tpu.wait_indirect_dma semaphore(%arg9 : memref<!tpu.dma_semaphore, #tpu.memory_space<semaphore_mem>>) src(%dma_wait3A_151 : memref<4096x1024xf32, #tpu.memory_space<hbm>>) dst(%arg7 : memref<32x1024xf32, #tpu.memory_space<vmem>>)
    %add3A_152 = arith.constant 224 : i32
    %add3A_153 = arith.addi %mul3A_2, %add3A_152 : i32
    %dma_start3A_154 = arith.constant 0 : i32
    %dma_start3A_155 = tpu.memref_slice %arg4[%add3A_153, %dma_start3A_154] : memref<16384x1024xf32, #tpu.memory_space<hbm>> -> memref<32x1024xf32, #tpu.memory_space<hbm>>
    %dma_start3A_156 = arith.constant 0 : i32
    %dma_start3A_157 = tpu.memref_slice %arg4[%add3A_153, %dma_start3A_156] : memref<16384x1024xf32, #tpu.memory_space<hbm>> -> memref<32x1024xf32, #tpu.memory_space<hbm>>
    tpu.enqueue_dma source(%arg7 : memref<32x1024xf32, #tpu.memory_space<vmem>>) target(%dma_start3A_157 : memref<32x1024xf32, #tpu.memory_space<hbm>>) target_semaphore(%arg10 : memref<!tpu.dma_semaphore, #tpu.memory_space<semaphore_mem>>)
    %dma_wait3A_158 = arith.constant 0 : i32
    %dma_wait3A_159 = tpu.memref_slice %arg4[%add3A_133, %dma_wait3A_158] : memref<16384x1024xf32, #tpu.memory_space<hbm>> -> memref<32x1024xf32, #tpu.memory_space<hbm>>
    %dma_wait3A_160 = arith.constant 0 : i32
    %dma_wait3A_161 = tpu.memref_slice %arg4[%add3A_133, %dma_wait3A_160] : memref<16384x1024xf32, #tpu.memory_space<hbm>> -> memref<32x1024xf32, #tpu.memory_space<hbm>>
    tpu.wait_dma2 semaphore(%arg10 : memref<!tpu.dma_semaphore, #tpu.memory_space<semaphore_mem>>) src(%arg6 : memref<32x1024xf32, #tpu.memory_space<vmem>>) dst(%dma_wait3A_161 : memref<32x1024xf32, #tpu.memory_space<hbm>>)
    %dma_start3A_162 = arith.constant 288 : i32
    %dma_start3A_163 = tpu.memref_slice %arg5[%dma_start3A_162] : memref<512xi32, #tpu.memory_space<vmem>> -> memref<32xi32, #tpu.memory_space<vmem>>
    %dma_start3A_164 = arith.constant 0 : i32
    %dma_start3A_165 = arith.constant 0 : i32
    %dma_start3A_166 = tpu.memref_slice %arg3[%dma_start3A_164, %dma_start3A_165] : memref<4096x1024xf32, #tpu.memory_space<hbm>> -> memref<4096x1024xf32, #tpu.memory_space<hbm>>
    tpu.enqueue_indirect_dma source(%dma_start3A_166 : memref<4096x1024xf32, #tpu.memory_space<hbm>>) target(%arg6 : memref<32x1024xf32, #tpu.memory_space<vmem>>) offsets(%dma_start3A_163 : memref<32xi32, #tpu.memory_space<vmem>>) semaphore(%arg9 : memref<!tpu.dma_semaphore, #tpu.memory_space<semaphore_mem>>)
    %dma_wait3A_167 = arith.constant 256 : i32
    %dma_wait3A_168 = tpu.memref_slice %arg5[%dma_wait3A_167] : memref<512xi32, #tpu.memory_space<vmem>> -> memref<32xi32, #tpu.memory_space<vmem>>
    %dma_wait3A_169 = arith.constant 0 : i32
    %dma_wait3A_170 = arith.constant 0 : i32
    %dma_wait3A_171 = tpu.memref_slice %arg3[%dma_wait3A_169, %dma_wait3A_170] : memref<4096x1024xf32, #tpu.memory_space<hbm>> -> memref<4096x1024xf32, #tpu.memory_space<hbm>>
    tpu.wait_indirect_dma semaphore(%arg9 : memref<!tpu.dma_semaphore, #tpu.memory_space<semaphore_mem>>) src(%dma_wait3A_171 : memref<4096x1024xf32, #tpu.memory_space<hbm>>) dst(%arg8 : memref<32x1024xf32, #tpu.memory_space<vmem>>)
    %add3A_172 = arith.constant 256 : i32
    %add3A_173 = arith.addi %mul3A_2, %add3A_172 : i32
    %dma_start3A_174 = arith.constant 0 : i32
    %dma_start3A_175 = tpu.memref_slice %arg4[%add3A_173, %dma_start3A_174] : memref<16384x1024xf32, #tpu.memory_space<hbm>> -> memref<32x1024xf32, #tpu.memory_space<hbm>>
    %dma_start3A_176 = arith.constant 0 : i32
    %dma_start3A_177 = tpu.memref_slice %arg4[%add3A_173, %dma_start3A_176] : memref<16384x1024xf32, #tpu.memory_space<hbm>> -> memref<32x1024xf32, #tpu.memory_space<hbm>>
    tpu.enqueue_dma source(%arg8 : memref<32x1024xf32, #tpu.memory_space<vmem>>) target(%dma_start3A_177 : memref<32x1024xf32, #tpu.memory_space<hbm>>) target_semaphore(%arg10 : memref<!tpu.dma_semaphore, #tpu.memory_space<semaphore_mem>>)
    %dma_wait3A_178 = arith.constant 0 : i32
    %dma_wait3A_179 = tpu.memref_slice %arg4[%add3A_153, %dma_wait3A_178] : memref<16384x1024xf32, #tpu.memory_space<hbm>> -> memref<32x1024xf32, #tpu.memory_space<hbm>>
    %dma_wait3A_180 = arith.constant 0 : i32
    %dma_wait3A_181 = tpu.memref_slice %arg4[%add3A_153, %dma_wait3A_180] : memref<16384x1024xf32, #tpu.memory_space<hbm>> -> memref<32x1024xf32, #tpu.memory_space<hbm>>
    tpu.wait_dma2 semaphore(%arg10 : memref<!tpu.dma_semaphore, #tpu.memory_space<semaphore_mem>>) src(%arg7 : memref<32x1024xf32, #tpu.memory_space<vmem>>) dst(%dma_wait3A_181 : memref<32x1024xf32, #tpu.memory_space<hbm>>)
    %dma_start3A_182 = arith.constant 320 : i32
    %dma_start3A_183 = tpu.memref_slice %arg5[%dma_start3A_182] : memref<512xi32, #tpu.memory_space<vmem>> -> memref<32xi32, #tpu.memory_space<vmem>>
    %dma_start3A_184 = arith.constant 0 : i32
    %dma_start3A_185 = arith.constant 0 : i32
    %dma_start3A_186 = tpu.memref_slice %arg3[%dma_start3A_184, %dma_start3A_185] : memref<4096x1024xf32, #tpu.memory_space<hbm>> -> memref<4096x1024xf32, #tpu.memory_space<hbm>>
    tpu.enqueue_indirect_dma source(%dma_start3A_186 : memref<4096x1024xf32, #tpu.memory_space<hbm>>) target(%arg7 : memref<32x1024xf32, #tpu.memory_space<vmem>>) offsets(%dma_start3A_183 : memref<32xi32, #tpu.memory_space<vmem>>) semaphore(%arg9 : memref<!tpu.dma_semaphore, #tpu.memory_space<semaphore_mem>>)
    %dma_wait3A_187 = arith.constant 288 : i32
    %dma_wait3A_188 = tpu.memref_slice %arg5[%dma_wait3A_187] : memref<512xi32, #tpu.memory_space<vmem>> -> memref<32xi32, #tpu.memory_space<vmem>>
    %dma_wait3A_189 = arith.constant 0 : i32
    %dma_wait3A_190 = arith.constant 0 : i32
    %dma_wait3A_191 = tpu.memref_slice %arg3[%dma_wait3A_189, %dma_wait3A_190] : memref<4096x1024xf32, #tpu.memory_space<hbm>> -> memref<4096x1024xf32, #tpu.memory_space<hbm>>
    tpu.wait_indirect_dma semaphore(%arg9 : memref<!tpu.dma_semaphore, #tpu.memory_space<semaphore_mem>>) src(%dma_wait3A_191 : memref<4096x1024xf32, #tpu.memory_space<hbm>>) dst(%arg6 : memref<32x1024xf32, #tpu.memory_space<vmem>>)
    %add3A_192 = arith.constant 288 : i32
    %add3A_193 = arith.addi %mul3A_2, %add3A_192 : i32
    %dma_start3A_194 = arith.constant 0 : i32
    %dma_start3A_195 = tpu.memref_slice %arg4[%add3A_193, %dma_start3A_194] : memref<16384x1024xf32, #tpu.memory_space<hbm>> -> memref<32x1024xf32, #tpu.memory_space<hbm>>
    %dma_start3A_196 = arith.constant 0 : i32
    %dma_start3A_197 = tpu.memref_slice %arg4[%add3A_193, %dma_start3A_196] : memref<16384x1024xf32, #tpu.memory_space<hbm>> -> memref<32x1024xf32, #tpu.memory_space<hbm>>
    tpu.enqueue_dma source(%arg6 : memref<32x1024xf32, #tpu.memory_space<vmem>>) target(%dma_start3A_197 : memref<32x1024xf32, #tpu.memory_space<hbm>>) target_semaphore(%arg10 : memref<!tpu.dma_semaphore, #tpu.memory_space<semaphore_mem>>)
    %dma_wait3A_198 = arith.constant 0 : i32
    %dma_wait3A_199 = tpu.memref_slice %arg4[%add3A_173, %dma_wait3A_198] : memref<16384x1024xf32, #tpu.memory_space<hbm>> -> memref<32x1024xf32, #tpu.memory_space<hbm>>
    %dma_wait3A_200 = arith.constant 0 : i32
    %dma_wait3A_201 = tpu.memref_slice %arg4[%add3A_173, %dma_wait3A_200] : memref<16384x1024xf32, #tpu.memory_space<hbm>> -> memref<32x1024xf32, #tpu.memory_space<hbm>>
    tpu.wait_dma2 semaphore(%arg10 : memref<!tpu.dma_semaphore, #tpu.memory_space<semaphore_mem>>) src(%arg8 : memref<32x1024xf32, #tpu.memory_space<vmem>>) dst(%dma_wait3A_201 : memref<32x1024xf32, #tpu.memory_space<hbm>>)
    %dma_start3A_202 = arith.constant 352 : i32
    %dma_start3A_203 = tpu.memref_slice %arg5[%dma_start3A_202] : memref<512xi32, #tpu.memory_space<vmem>> -> memref<32xi32, #tpu.memory_space<vmem>>
    %dma_start3A_204 = arith.constant 0 : i32
    %dma_start3A_205 = arith.constant 0 : i32
    %dma_start3A_206 = tpu.memref_slice %arg3[%dma_start3A_204, %dma_start3A_205] : memref<4096x1024xf32, #tpu.memory_space<hbm>> -> memref<4096x1024xf32, #tpu.memory_space<hbm>>
    tpu.enqueue_indirect_dma source(%dma_start3A_206 : memref<4096x1024xf32, #tpu.memory_space<hbm>>) target(%arg8 : memref<32x1024xf32, #tpu.memory_space<vmem>>) offsets(%dma_start3A_203 : memref<32xi32, #tpu.memory_space<vmem>>) semaphore(%arg9 : memref<!tpu.dma_semaphore, #tpu.memory_space<semaphore_mem>>)
    %dma_wait3A_207 = arith.constant 320 : i32
    %dma_wait3A_208 = tpu.memref_slice %arg5[%dma_wait3A_207] : memref<512xi32, #tpu.memory_space<vmem>> -> memref<32xi32, #tpu.memory_space<vmem>>
    %dma_wait3A_209 = arith.constant 0 : i32
    %dma_wait3A_210 = arith.constant 0 : i32
    %dma_wait3A_211 = tpu.memref_slice %arg3[%dma_wait3A_209, %dma_wait3A_210] : memref<4096x1024xf32, #tpu.memory_space<hbm>> -> memref<4096x1024xf32, #tpu.memory_space<hbm>>
    tpu.wait_indirect_dma semaphore(%arg9 : memref<!tpu.dma_semaphore, #tpu.memory_space<semaphore_mem>>) src(%dma_wait3A_211 : memref<4096x1024xf32, #tpu.memory_space<hbm>>) dst(%arg7 : memref<32x1024xf32, #tpu.memory_space<vmem>>)
    %add3A_212 = arith.constant 320 : i32
    %add3A_213 = arith.addi %mul3A_2, %add3A_212 : i32
    %dma_start3A_214 = arith.constant 0 : i32
    %dma_start3A_215 = tpu.memref_slice %arg4[%add3A_213, %dma_start3A_214] : memref<16384x1024xf32, #tpu.memory_space<hbm>> -> memref<32x1024xf32, #tpu.memory_space<hbm>>
    %dma_start3A_216 = arith.constant 0 : i32
    %dma_start3A_217 = tpu.memref_slice %arg4[%add3A_213, %dma_start3A_216] : memref<16384x1024xf32, #tpu.memory_space<hbm>> -> memref<32x1024xf32, #tpu.memory_space<hbm>>
    tpu.enqueue_dma source(%arg7 : memref<32x1024xf32, #tpu.memory_space<vmem>>) target(%dma_start3A_217 : memref<32x1024xf32, #tpu.memory_space<hbm>>) target_semaphore(%arg10 : memref<!tpu.dma_semaphore, #tpu.memory_space<semaphore_mem>>)
    %dma_wait3A_218 = arith.constant 0 : i32
    %dma_wait3A_219 = tpu.memref_slice %arg4[%add3A_193, %dma_wait3A_218] : memref<16384x1024xf32, #tpu.memory_space<hbm>> -> memref<32x1024xf32, #tpu.memory_space<hbm>>
    %dma_wait3A_220 = arith.constant 0 : i32
    %dma_wait3A_221 = tpu.memref_slice %arg4[%add3A_193, %dma_wait3A_220] : memref<16384x1024xf32, #tpu.memory_space<hbm>> -> memref<32x1024xf32, #tpu.memory_space<hbm>>
    tpu.wait_dma2 semaphore(%arg10 : memref<!tpu.dma_semaphore, #tpu.memory_space<semaphore_mem>>) src(%arg6 : memref<32x1024xf32, #tpu.memory_space<vmem>>) dst(%dma_wait3A_221 : memref<32x1024xf32, #tpu.memory_space<hbm>>)
    %dma_start3A_222 = arith.constant 384 : i32
    %dma_start3A_223 = tpu.memref_slice %arg5[%dma_start3A_222] : memref<512xi32, #tpu.memory_space<vmem>> -> memref<32xi32, #tpu.memory_space<vmem>>
    %dma_start3A_224 = arith.constant 0 : i32
    %dma_start3A_225 = arith.constant 0 : i32
    %dma_start3A_226 = tpu.memref_slice %arg3[%dma_start3A_224, %dma_start3A_225] : memref<4096x1024xf32, #tpu.memory_space<hbm>> -> memref<4096x1024xf32, #tpu.memory_space<hbm>>
    tpu.enqueue_indirect_dma source(%dma_start3A_226 : memref<4096x1024xf32, #tpu.memory_space<hbm>>) target(%arg6 : memref<32x1024xf32, #tpu.memory_space<vmem>>) offsets(%dma_start3A_223 : memref<32xi32, #tpu.memory_space<vmem>>) semaphore(%arg9 : memref<!tpu.dma_semaphore, #tpu.memory_space<semaphore_mem>>)
    %dma_wait3A_227 = arith.constant 352 : i32
    %dma_wait3A_228 = tpu.memref_slice %arg5[%dma_wait3A_227] : memref<512xi32, #tpu.memory_space<vmem>> -> memref<32xi32, #tpu.memory_space<vmem>>
    %dma_wait3A_229 = arith.constant 0 : i32
    %dma_wait3A_230 = arith.constant 0 : i32
    %dma_wait3A_231 = tpu.memref_slice %arg3[%dma_wait3A_229, %dma_wait3A_230] : memref<4096x1024xf32, #tpu.memory_space<hbm>> -> memref<4096x1024xf32, #tpu.memory_space<hbm>>
    tpu.wait_indirect_dma semaphore(%arg9 : memref<!tpu.dma_semaphore, #tpu.memory_space<semaphore_mem>>) src(%dma_wait3A_231 : memref<4096x1024xf32, #tpu.memory_space<hbm>>) dst(%arg8 : memref<32x1024xf32, #tpu.memory_space<vmem>>)
    %add3A_232 = arith.constant 352 : i32
    %add3A_233 = arith.addi %mul3A_2, %add3A_232 : i32
    %dma_start3A_234 = arith.constant 0 : i32
    %dma_start3A_235 = tpu.memref_slice %arg4[%add3A_233, %dma_start3A_234] : memref<16384x1024xf32, #tpu.memory_space<hbm>> -> memref<32x1024xf32, #tpu.memory_space<hbm>>
    %dma_start3A_236 = arith.constant 0 : i32
    %dma_start3A_237 = tpu.memref_slice %arg4[%add3A_233, %dma_start3A_236] : memref<16384x1024xf32, #tpu.memory_space<hbm>> -> memref<32x1024xf32, #tpu.memory_space<hbm>>
    tpu.enqueue_dma source(%arg8 : memref<32x1024xf32, #tpu.memory_space<vmem>>) target(%dma_start3A_237 : memref<32x1024xf32, #tpu.memory_space<hbm>>) target_semaphore(%arg10 : memref<!tpu.dma_semaphore, #tpu.memory_space<semaphore_mem>>)
    %dma_wait3A_238 = arith.constant 0 : i32
    %dma_wait3A_239 = tpu.memref_slice %arg4[%add3A_213, %dma_wait3A_238] : memref<16384x1024xf32, #tpu.memory_space<hbm>> -> memref<32x1024xf32, #tpu.memory_space<hbm>>
    %dma_wait3A_240 = arith.constant 0 : i32
    %dma_wait3A_241 = tpu.memref_slice %arg4[%add3A_213, %dma_wait3A_240] : memref<16384x1024xf32, #tpu.memory_space<hbm>> -> memref<32x1024xf32, #tpu.memory_space<hbm>>
    tpu.wait_dma2 semaphore(%arg10 : memref<!tpu.dma_semaphore, #tpu.memory_space<semaphore_mem>>) src(%arg7 : memref<32x1024xf32, #tpu.memory_space<vmem>>) dst(%dma_wait3A_241 : memref<32x1024xf32, #tpu.memory_space<hbm>>)
    %dma_start3A_242 = arith.constant 416 : i32
    %dma_start3A_243 = tpu.memref_slice %arg5[%dma_start3A_242] : memref<512xi32, #tpu.memory_space<vmem>> -> memref<32xi32, #tpu.memory_space<vmem>>
    %dma_start3A_244 = arith.constant 0 : i32
    %dma_start3A_245 = arith.constant 0 : i32
    %dma_start3A_246 = tpu.memref_slice %arg3[%dma_start3A_244, %dma_start3A_245] : memref<4096x1024xf32, #tpu.memory_space<hbm>> -> memref<4096x1024xf32, #tpu.memory_space<hbm>>
    tpu.enqueue_indirect_dma source(%dma_start3A_246 : memref<4096x1024xf32, #tpu.memory_space<hbm>>) target(%arg7 : memref<32x1024xf32, #tpu.memory_space<vmem>>) offsets(%dma_start3A_243 : memref<32xi32, #tpu.memory_space<vmem>>) semaphore(%arg9 : memref<!tpu.dma_semaphore, #tpu.memory_space<semaphore_mem>>)
    %dma_wait3A_247 = arith.constant 384 : i32
    %dma_wait3A_248 = tpu.memref_slice %arg5[%dma_wait3A_247] : memref<512xi32, #tpu.memory_space<vmem>> -> memref<32xi32, #tpu.memory_space<vmem>>
    %dma_wait3A_249 = arith.constant 0 : i32
    %dma_wait3A_250 = arith.constant 0 : i32
    %dma_wait3A_251 = tpu.memref_slice %arg3[%dma_wait3A_249, %dma_wait3A_250] : memref<4096x1024xf32, #tpu.memory_space<hbm>> -> memref<4096x1024xf32, #tpu.memory_space<hbm>>
    tpu.wait_indirect_dma semaphore(%arg9 : memref<!tpu.dma_semaphore, #tpu.memory_space<semaphore_mem>>) src(%dma_wait3A_251 : memref<4096x1024xf32, #tpu.memory_space<hbm>>) dst(%arg6 : memref<32x1024xf32, #tpu.memory_space<vmem>>)
    %add3A_252 = arith.constant 384 : i32
    %add3A_253 = arith.addi %mul3A_2, %add3A_252 : i32
    %dma_start3A_254 = arith.constant 0 : i32
    %dma_start3A_255 = tpu.memref_slice %arg4[%add3A_253, %dma_start3A_254] : memref<16384x1024xf32, #tpu.memory_space<hbm>> -> memref<32x1024xf32, #tpu.memory_space<hbm>>
    %dma_start3A_256 = arith.constant 0 : i32
    %dma_start3A_257 = tpu.memref_slice %arg4[%add3A_253, %dma_start3A_256] : memref<16384x1024xf32, #tpu.memory_space<hbm>> -> memref<32x1024xf32, #tpu.memory_space<hbm>>
    tpu.enqueue_dma source(%arg6 : memref<32x1024xf32, #tpu.memory_space<vmem>>) target(%dma_start3A_257 : memref<32x1024xf32, #tpu.memory_space<hbm>>) target_semaphore(%arg10 : memref<!tpu.dma_semaphore, #tpu.memory_space<semaphore_mem>>)
    %dma_wait3A_258 = arith.constant 0 : i32
    %dma_wait3A_259 = tpu.memref_slice %arg4[%add3A_233, %dma_wait3A_258] : memref<16384x1024xf32, #tpu.memory_space<hbm>> -> memref<32x1024xf32, #tpu.memory_space<hbm>>
    %dma_wait3A_260 = arith.constant 0 : i32
    %dma_wait3A_261 = tpu.memref_slice %arg4[%add3A_233, %dma_wait3A_260] : memref<16384x1024xf32, #tpu.memory_space<hbm>> -> memref<32x1024xf32, #tpu.memory_space<hbm>>
    tpu.wait_dma2 semaphore(%arg10 : memref<!tpu.dma_semaphore, #tpu.memory_space<semaphore_mem>>) src(%arg8 : memref<32x1024xf32, #tpu.memory_space<vmem>>) dst(%dma_wait3A_261 : memref<32x1024xf32, #tpu.memory_space<hbm>>)
    %dma_start3A_262 = arith.constant 448 : i32
    %dma_start3A_263 = tpu.memref_slice %arg5[%dma_start3A_262] : memref<512xi32, #tpu.memory_space<vmem>> -> memref<32xi32, #tpu.memory_space<vmem>>
    %dma_start3A_264 = arith.constant 0 : i32
    %dma_start3A_265 = arith.constant 0 : i32
    %dma_start3A_266 = tpu.memref_slice %arg3[%dma_start3A_264, %dma_start3A_265] : memref<4096x1024xf32, #tpu.memory_space<hbm>> -> memref<4096x1024xf32, #tpu.memory_space<hbm>>
    tpu.enqueue_indirect_dma source(%dma_start3A_266 : memref<4096x1024xf32, #tpu.memory_space<hbm>>) target(%arg8 : memref<32x1024xf32, #tpu.memory_space<vmem>>) offsets(%dma_start3A_263 : memref<32xi32, #tpu.memory_space<vmem>>) semaphore(%arg9 : memref<!tpu.dma_semaphore, #tpu.memory_space<semaphore_mem>>)
    %dma_wait3A_267 = arith.constant 416 : i32
    %dma_wait3A_268 = tpu.memref_slice %arg5[%dma_wait3A_267] : memref<512xi32, #tpu.memory_space<vmem>> -> memref<32xi32, #tpu.memory_space<vmem>>
    %dma_wait3A_269 = arith.constant 0 : i32
    %dma_wait3A_270 = arith.constant 0 : i32
    %dma_wait3A_271 = tpu.memref_slice %arg3[%dma_wait3A_269, %dma_wait3A_270] : memref<4096x1024xf32, #tpu.memory_space<hbm>> -> memref<4096x1024xf32, #tpu.memory_space<hbm>>
    tpu.wait_indirect_dma semaphore(%arg9 : memref<!tpu.dma_semaphore, #tpu.memory_space<semaphore_mem>>) src(%dma_wait3A_271 : memref<4096x1024xf32, #tpu.memory_space<hbm>>) dst(%arg7 : memref<32x1024xf32, #tpu.memory_space<vmem>>)
    %add3A_272 = arith.constant 416 : i32
    %add3A_273 = arith.addi %mul3A_2, %add3A_272 : i32
    %dma_start3A_274 = arith.constant 0 : i32
    %dma_start3A_275 = tpu.memref_slice %arg4[%add3A_273, %dma_start3A_274] : memref<16384x1024xf32, #tpu.memory_space<hbm>> -> memref<32x1024xf32, #tpu.memory_space<hbm>>
    %dma_start3A_276 = arith.constant 0 : i32
    %dma_start3A_277 = tpu.memref_slice %arg4[%add3A_273, %dma_start3A_276] : memref<16384x1024xf32, #tpu.memory_space<hbm>> -> memref<32x1024xf32, #tpu.memory_space<hbm>>
    tpu.enqueue_dma source(%arg7 : memref<32x1024xf32, #tpu.memory_space<vmem>>) target(%dma_start3A_277 : memref<32x1024xf32, #tpu.memory_space<hbm>>) target_semaphore(%arg10 : memref<!tpu.dma_semaphore, #tpu.memory_space<semaphore_mem>>)
    %dma_wait3A_278 = arith.constant 0 : i32
    %dma_wait3A_279 = tpu.memref_slice %arg4[%add3A_253, %dma_wait3A_278] : memref<16384x1024xf32, #tpu.memory_space<hbm>> -> memref<32x1024xf32, #tpu.memory_space<hbm>>
    %dma_wait3A_280 = arith.constant 0 : i32
    %dma_wait3A_281 = tpu.memref_slice %arg4[%add3A_253, %dma_wait3A_280] : memref<16384x1024xf32, #tpu.memory_space<hbm>> -> memref<32x1024xf32, #tpu.memory_space<hbm>>
    tpu.wait_dma2 semaphore(%arg10 : memref<!tpu.dma_semaphore, #tpu.memory_space<semaphore_mem>>) src(%arg6 : memref<32x1024xf32, #tpu.memory_space<vmem>>) dst(%dma_wait3A_281 : memref<32x1024xf32, #tpu.memory_space<hbm>>)
    %dma_start3A_282 = arith.constant 480 : i32
    %dma_start3A_283 = tpu.memref_slice %arg5[%dma_start3A_282] : memref<512xi32, #tpu.memory_space<vmem>> -> memref<32xi32, #tpu.memory_space<vmem>>
    %dma_start3A_284 = arith.constant 0 : i32
    %dma_start3A_285 = arith.constant 0 : i32
    %dma_start3A_286 = tpu.memref_slice %arg3[%dma_start3A_284, %dma_start3A_285] : memref<4096x1024xf32, #tpu.memory_space<hbm>> -> memref<4096x1024xf32, #tpu.memory_space<hbm>>
    tpu.enqueue_indirect_dma source(%dma_start3A_286 : memref<4096x1024xf32, #tpu.memory_space<hbm>>) target(%arg6 : memref<32x1024xf32, #tpu.memory_space<vmem>>) offsets(%dma_start3A_283 : memref<32xi32, #tpu.memory_space<vmem>>) semaphore(%arg9 : memref<!tpu.dma_semaphore, #tpu.memory_space<semaphore_mem>>)
    %dma_wait3A_287 = arith.constant 448 : i32
    %dma_wait3A_288 = tpu.memref_slice %arg5[%dma_wait3A_287] : memref<512xi32, #tpu.memory_space<vmem>> -> memref<32xi32, #tpu.memory_space<vmem>>
    %dma_wait3A_289 = arith.constant 0 : i32
    %dma_wait3A_290 = arith.constant 0 : i32
    %dma_wait3A_291 = tpu.memref_slice %arg3[%dma_wait3A_289, %dma_wait3A_290] : memref<4096x1024xf32, #tpu.memory_space<hbm>> -> memref<4096x1024xf32, #tpu.memory_space<hbm>>
    tpu.wait_indirect_dma semaphore(%arg9 : memref<!tpu.dma_semaphore, #tpu.memory_space<semaphore_mem>>) src(%dma_wait3A_291 : memref<4096x1024xf32, #tpu.memory_space<hbm>>) dst(%arg8 : memref<32x1024xf32, #tpu.memory_space<vmem>>)
    %add3A_292 = arith.constant 448 : i32
    %add3A_293 = arith.addi %mul3A_2, %add3A_292 : i32
    %dma_start3A_294 = arith.constant 0 : i32
    %dma_start3A_295 = tpu.memref_slice %arg4[%add3A_293, %dma_start3A_294] : memref<16384x1024xf32, #tpu.memory_space<hbm>> -> memref<32x1024xf32, #tpu.memory_space<hbm>>
    %dma_start3A_296 = arith.constant 0 : i32
    %dma_start3A_297 = tpu.memref_slice %arg4[%add3A_293, %dma_start3A_296] : memref<16384x1024xf32, #tpu.memory_space<hbm>> -> memref<32x1024xf32, #tpu.memory_space<hbm>>
    tpu.enqueue_dma source(%arg8 : memref<32x1024xf32, #tpu.memory_space<vmem>>) target(%dma_start3A_297 : memref<32x1024xf32, #tpu.memory_space<hbm>>) target_semaphore(%arg10 : memref<!tpu.dma_semaphore, #tpu.memory_space<semaphore_mem>>)
    %dma_wait3A_298 = arith.constant 480 : i32
    %dma_wait3A_299 = tpu.memref_slice %arg5[%dma_wait3A_298] : memref<512xi32, #tpu.memory_space<vmem>> -> memref<32xi32, #tpu.memory_space<vmem>>
    %dma_wait3A_300 = arith.constant 0 : i32
    %dma_wait3A_301 = arith.constant 0 : i32
    %dma_wait3A_302 = tpu.memref_slice %arg3[%dma_wait3A_300, %dma_wait3A_301] : memref<4096x1024xf32, #tpu.memory_space<hbm>> -> memref<4096x1024xf32, #tpu.memory_space<hbm>>
    tpu.wait_indirect_dma semaphore(%arg9 : memref<!tpu.dma_semaphore, #tpu.memory_space<semaphore_mem>>) src(%dma_wait3A_302 : memref<4096x1024xf32, #tpu.memory_space<hbm>>) dst(%arg6 : memref<32x1024xf32, #tpu.memory_space<vmem>>)
    %add3A_303 = arith.constant 480 : i32
    %add3A_304 = arith.addi %mul3A_2, %add3A_303 : i32
    %dma_start3A_305 = arith.constant 0 : i32
    %dma_start3A_306 = tpu.memref_slice %arg4[%add3A_304, %dma_start3A_305] : memref<16384x1024xf32, #tpu.memory_space<hbm>> -> memref<32x1024xf32, #tpu.memory_space<hbm>>
    %dma_start3A_307 = arith.constant 0 : i32
    %dma_start3A_308 = tpu.memref_slice %arg4[%add3A_304, %dma_start3A_307] : memref<16384x1024xf32, #tpu.memory_space<hbm>> -> memref<32x1024xf32, #tpu.memory_space<hbm>>
    tpu.enqueue_dma source(%arg6 : memref<32x1024xf32, #tpu.memory_space<vmem>>) target(%dma_start3A_308 : memref<32x1024xf32, #tpu.memory_space<hbm>>) target_semaphore(%arg10 : memref<!tpu.dma_semaphore, #tpu.memory_space<semaphore_mem>>)
    %dma_wait3A_309 = arith.constant 0 : i32
    %dma_wait3A_310 = tpu.memref_slice %arg4[%add3A_273, %dma_wait3A_309] : memref<16384x1024xf32, #tpu.memory_space<hbm>> -> memref<32x1024xf32, #tpu.memory_space<hbm>>
    %dma_wait3A_311 = arith.constant 0 : i32
    %dma_wait3A_312 = tpu.memref_slice %arg4[%add3A_273, %dma_wait3A_311] : memref<16384x1024xf32, #tpu.memory_space<hbm>> -> memref<32x1024xf32, #tpu.memory_space<hbm>>
    tpu.wait_dma2 semaphore(%arg10 : memref<!tpu.dma_semaphore, #tpu.memory_space<semaphore_mem>>) src(%arg7 : memref<32x1024xf32, #tpu.memory_space<vmem>>) dst(%dma_wait3A_312 : memref<32x1024xf32, #tpu.memory_space<hbm>>)
    %dma_wait3A_313 = arith.constant 0 : i32
    %dma_wait3A_314 = tpu.memref_slice %arg4[%add3A_293, %dma_wait3A_313] : memref<16384x1024xf32, #tpu.memory_space<hbm>> -> memref<32x1024xf32, #tpu.memory_space<hbm>>
    %dma_wait3A_315 = arith.constant 0 : i32
    %dma_wait3A_316 = tpu.memref_slice %arg4[%add3A_293, %dma_wait3A_315] : memref<16384x1024xf32, #tpu.memory_space<hbm>> -> memref<32x1024xf32, #tpu.memory_space<hbm>>
    tpu.wait_dma2 semaphore(%arg10 : memref<!tpu.dma_semaphore, #tpu.memory_space<semaphore_mem>>) src(%arg8 : memref<32x1024xf32, #tpu.memory_space<vmem>>) dst(%dma_wait3A_316 : memref<32x1024xf32, #tpu.memory_space<hbm>>)
    %dma_wait3A_317 = arith.constant 0 : i32
    %dma_wait3A_318 = tpu.memref_slice %arg4[%add3A_304, %dma_wait3A_317] : memref<16384x1024xf32, #tpu.memory_space<hbm>> -> memref<32x1024xf32, #tpu.memory_space<hbm>>
    %dma_wait3A_319 = arith.constant 0 : i32
    %dma_wait3A_320 = tpu.memref_slice %arg4[%add3A_304, %dma_wait3A_319] : memref<16384x1024xf32, #tpu.memory_space<hbm>> -> memref<32x1024xf32, #tpu.memory_space<hbm>>
    tpu.wait_dma2 semaphore(%arg10 : memref<!tpu.dma_semaphore, #tpu.memory_space<semaphore_mem>>) src(%arg6 : memref<32x1024xf32, #tpu.memory_space<vmem>>) dst(%dma_wait3A_320 : memref<32x1024xf32, #tpu.memory_space<hbm>>)
    return
  }
}

</mosaic_0001>

<sc_bundles>
// kernel: kernel.3.cloned.1.call-start
scs
__scs_entry_jumppad:
0x0: {  	(pc) =	sbr.rel $0x88, $3  }
0x1: {  	(tag) =	ssettag $0x0;
	lr =	simm.s32 $0x1  }
0x2: {  	[smem:$0x3F9F] =	sst lr;
	_ =	strace $0xD0000000  }
0x3: {  	_ = 	snop  }
0x4: {  	_ = 	snop  }
0x5: {  	_ = 	snop  }
0x6: {  	_ = 	snop  }
0x7: {  	_ = 	snop  }
__scs_overlays_trampoline_lowered:
0x8: {  	[smem:$0x3FAE] =	sst s0  }
0x9: {  	[smem:$0x3FAF] =	sst s1  }
0xa: {  	[smem:$0x3FB0] =	sst s2  }
0xb: {  	[smem:$0x3FB1] =	sst s3  }
0xc: {  	[smem:$0x3FB2] =	sst s4  }
0xd: {  	[smem:$0x3FB3] =	sst s5  }
0xe: {  	[smem:$0x3FB4] =	sst s6  }
0xf: {  	[smem:$0x3FB5] =	sst s7  }
0x10: {  	[smem:$0x3FB6] =	sst s8  }
0x11: {  	[smem:$0x3FB7] =	sst s9;
	s0 =	simm.s32 @!p0 $0x0  }
0x12: {  	s1 =	sld [smem:$0x3F9D];
	s0 =	simm.s32 @p0 $0x1  }
0x13: {  	[smem:$0x3FB8] =	sst s0;
	s0 =	simm.s32 @!p1 $0x0  }
0x14: {  	s2 =	sld [smem:$0x3F9C];
	s0 =	simm.s32 @p1 $0x1  }
0x15: {  	[smem:$0x3FB9] =	sst s0;
	s0 =	simm.s32 @!p2 $0x0  }
0x16: {  	s3 =	sld [smem:$0x3FDB];
	s0 =	simm.s32 @p2 $0x1  }
0x17: {  	s4 =	simm.s32 $0x1BF5;
	[smem:$0x3FBB] =	sst s0  }
0x18: {  	s0 =	sld [smem:$0x3F9E];
	_ =	swait.ge [sflag:s4], $0x0  }
0x19: {  	s7 =	sld [smem:$0x3F9F]  }
0x1a: {  	s8 =	sadd.s32 $0xFFFFE003, lr  }
0x1b: {  	s9 =	sadd.s32 $0xFFFFFEF7, lr;
	s5 =	simm.s32 $0xFFFFFFFF;
	p2 =	slt.u32 s8, $0xFFFFF086  }
0x1c: {  	p1 =	slt.u32 s9, $0xF7A;
	s5 =	simm.s32 @!p2 $0x0  }
0x1d: {  	s5 =	simm.s32 @p1 $0x1;
	p0 =	seq.s32 s7, s2  }
0x1e: {  	s7 =	smul.u32 @!p0 $0xF7A, s2;
	p2 =	seq.s32 @!p0 s5, $0x0  }
0x1f: {  	s9 =	smul.u32 $0xF7A, s1;
	s8 =	simm.s32 @!p0 $0x1BF5;
	p2 =	por !p2, p0  }
0x20: {  	[sflag:s8] =	ssyncset.s32 @!p0 $0xFFFFF086;
	s6 =	sadd.s32 @!p0 s3, s7;
	s7 =	simm.s32 @!p0 $0x108  }
0x21: {  	s3 =	sadd.s32 s3, s9;
	s6 =	sadd.s32 @!p0 $0x88, s6;
	s7 =	simm.s32 @p2 $0x1082  }
0x22: {  	[simem:s7], [sflag:s8] =	dma.local @!p0 [hbm:s6], $0xF7A  }
0x23: {  	s9 =	sor.u32 $0xD0000000, s2;
	s6 =	simm.s32 $0x108;
	_ =	swait.ge @!p0 [sflag:s8], $0x0  }
0x24: {  	s3 =	sadd.s32 $0x88, s3;
	s6 =	simm.s32 @!p1 $0x1082;
	[sflag:s4] =	ssyncset.s32 $0xFFFFF086  }
0x25: {  	[simem:s6], [sflag:s4] =	dma.local [hbm:s3], $0xF7A  }
0x26: {  	[smem:$0x3F9F] =	sst s1;
	(tag) =	ssettag s2;
	_ =	strace s9  }
0x27: {  	s1 =	sld [smem:$0x3FAF]  }
0x28: {  	s2 =	sld [smem:$0x3FB0]  }
0x29: {  	s4 =	sld [smem:$0x3FB2]  }
0x2a: {  	p0 =	seq.s32 s5, $0x0;
	s5 =	sld [smem:$0x3FB3]  }
0x2b: {  	s6 =	sld [smem:$0x3FB4]  }
0x2c: {  	s7 =	sld [smem:$0x3FB5]  }
0x2d: {  	s3 =	simm.s32 $0x108;
	s8 =	sld [smem:$0x3FB6]  }
0x2e: {  	s3 =	simm.s32 @!p0 $0x1082;
	s9 =	sld [smem:$0x3FB7]  }
0x2f: {  	lr =	sadd.s32 s0, s3;
	s0 =	sld [smem:$0x3FAE]  }
0x30: {  	s3 =	sld [smem:$0x3FB1]  }
0x31: {  	[smem:$0x3FBA] =	sst s10  }
0x32: {  	s10 =	sld [smem:$0x3FB8];
	_ =	sdelay $0x3  }
0x33: {  	p0 =	seq.s32 s10, $0x1;
	s10 =	sld [smem:$0x3FBA];
	_ =	sdelay $0x3  }
0x34: {  	[smem:$0x3FBA] =	sst s10  }
0x35: {  	s10 =	sld [smem:$0x3FB9];
	_ =	sdelay $0x3  }
0x36: {  	p1 =	seq.s32 s10, $0x1;
	s10 =	sld [smem:$0x3FBA];
	_ =	sdelay $0x3  }
0x37: {  	[smem:$0x3FBA] =	sst s10  }
0x38: {  	s10 =	sld [smem:$0x3FBB]  }
0x39: {  	_ = 	snop;
	(pc) =	sbr.ind lr, $3  }
0x3a: {  	_ = 	snop  }
0x3b: {  	_ = 	snop  }
0x3c: {  	p2 =	seq.s32 s10, $0x1;
	s10 =	sld [smem:$0x3FBA]  }
0x3d: {  	_ =	shalt  }
0x3e: {  	_ =	shalt  }
0x3f: {  	_ =	shalt  }
0x40: {  	_ =	shalt  }
0x41: {  	_ =	shalt  }
0x42: {  	_ =	shalt  }
0x43: {  	_ =	shalt  }
0x44: {  	_ =	shalt  }
0x45: {  	_ =	shalt  }
0x46: {  	_ =	shalt  }
0x47: {  	_ =	shalt  }
0x48: {  	_ =	shalt  }
0x49: {  	_ =	shalt  }
0x4a: {  	_ =	shalt  }
0x4b: {  	_ =	shalt  }
0x4c: {  	_ =	shalt  }
0x4d: {  	_ =	shalt  }
0x4e: {  	_ =	shalt  }
0x4f: {  	_ =	shalt  }
0x50: {  	_ =	shalt  }
0x51: {  	_ =	shalt  }
0x52: {  	_ =	shalt  }
0x53: {  	_ =	shalt  }
0x54: {  	_ =	shalt  }
0x55: {  	_ =	shalt  }
0x56: {  	_ =	shalt  }
0x57: {  	_ =	shalt  }
0x58: {  	_ =	shalt  }
0x59: {  	_ =	shalt  }
0x5a: {  	_ =	shalt  }
0x5b: {  	_ =	shalt  }
0x5c: {  	_ =	shalt  }
0x5d: {  	_ =	shalt  }
0x5e: {  	_ =	shalt  }
0x5f: {  	_ =	shalt  }
0x60: {  	_ =	shalt  }
0x61: {  	_ =	shalt  }
0x62: {  	_ =	shalt  }
0x63: {  	_ =	shalt  }
0x64: {  	_ =	shalt  }
0x65: {  	_ =	shalt  }
0x66: {  	_ =	shalt  }
0x67: {  	_ =	shalt  }
0x68: {  	_ =	shalt  }
0x69: {  	_ =	shalt  }
0x6a: {  	_ =	shalt  }
0x6b: {  	_ =	shalt  }
0x6c: {  	_ =	shalt  }
0x6d: {  	_ =	shalt  }
0x6e: {  	_ =	shalt  }
0x6f: {  	_ =	shalt  }
0x70: {  	_ =	shalt  }
0x71: {  	_ =	shalt  }
0x72: {  	_ =	shalt  }
0x73: {  	_ =	shalt  }
0x74: {  	_ =	shalt  }
0x75: {  	_ =	shalt  }
0x76: {  	_ =	shalt  }
0x77: {  	_ =	shalt  }
0x78: {  	_ =	shalt  }
0x79: {  	_ =	shalt  }
0x7a: {  	_ =	shalt  }
0x7b: {  	_ =	shalt  }
0x7c: {  	_ =	shalt  }
0x7d: {  	_ =	shalt  }
0x7e: {  	_ =	shalt  }
0x7f: {  	_ =	shalt  }
0x80: {  	_ =	shalt  }
0x81: {  	_ =	shalt  }
0x82: {  	_ =	shalt  }
0x83: {  	_ =	shalt  }
0x84: {  	_ =	shalt  }
0x85: {  	_ =	shalt  }
0x86: {  	_ =	shalt  }
0x87: {  	_ =	shalt  }
.Lfunc_end0:
.L_simem_size_0:
called_computation_lowered:
.L_overlay_start_0:
0x88: {  	s2 =	sld [smem:$0x3FD9]  }
0x89: {  	s3 =	sld [smem:$0x3FFE];
	_ =	sdelay $0x1  }
0x8a: {  	s1 =	srdreg.scid  }
0x8b: {  	s0 =	sand.u32 $0x1, s1  }
0x8c: {  	s17 =	sshll.u32 s0, $0xA;
	s2 =	sadd.s32 s3, s2  }
0x8d: {  	s2 =	sadd.s32 s2, s17  }
0x8e: {  	[smem:$0x3FC6] =	sst s2  }
0x8f: {  	_ = 	snop  }
0x90: {  	s2 =	sld [smem:$0x3FC8]  }
0x91: {  	s18 =	sld [smem:$0x3FD0];
	(tm) =	ssettm $0x1  }
0x92: {  	s4 =	sld [smem:$0x3FFB];
	_ =	sdelay $0x3  }
0x93: {  	_ =	strace s4  }
0x94: {  	s4 =	sld [smem:$0x3FFC];
	_ =	sdelay $0x3  }
0x95: {  	_ =	strace s4  }
0x96: {  	s4 =	sld [smem:$0x3FFD];
	_ =	sdelay $0x3  }
0x97: {  	_ =	strace s4  }
0x98: {  	_ =	strace $0x8FFFFFFF  }
0x99: {  	s19 =	sld [smem:$0x3FDB];
	_ =	sdelay $0x1  }
0x9a: {  	s5 =	simm.s32 $_scs_section_size  }
0x9b: {  	s6 =	simm.s32 $_size__tile_overlayer_lowered;
	s7 =	simm.s32 $_tile_overlayer_lowered  }
0x9c: {  	s22 =	simm.s32 $0x1BFF;
	s21 =	sshll.u32 s7, $0x1;
	s4 =	sadd.s32 s5, s19  }
0x9d: {  	s8 =	simm.s32 $0x0;
	s20 =	sshll.u32 s6, $0x1;
	s6 =	sadd.s32 s21, s4  }
0x9e: {  	[timem:s8], [sflag:s22] =	dma.local [hbm:s6], s20  }
0x9f: {  	_ =	swait.ge [sflag:s22], s20  }
0xa0: {  	s5 =	ssub.s32 $0x0, s20;
	[sflag:s22] =	ssyncset.done $0x0  }
0xa1: {  	[sflag:s22] =	ssyncadd.s32 s5;
	_ =	sdelay $0x1  }
0xa2: {  	s23 =	simm.s32 $0x1B8B  }
0xa3: {  	_ =	swait.ge [sflag:s23], $0x1  }
0xa4: {  	[sflag:s23] =	ssyncset.done $0x0  }
0xa5: {  	s25 =	simm.s32 $0x1B8E;
	s24 =	sld [smem:$0x3FFE];
	[sflag:s23] =	ssyncadd.s32 $0xFFFFFFFF  }
0xa6: {  	s26 =	simm.s32 $execute0_lowered;
	[smem:$0x3FD2] =	sst s25  }
0xa7: {  	s6 =	sshll.u32 s26, $0x1;
	_ =	strace $0x80000046;
	[dreg:$0x1] =	wrdreg $0xFFFFFFFF  }
0xa8: {  	s28 =	simm.s32 $_size_execute0_lowered;
	s4 =	sadd.s32 s4, s6;
	[dreg:$0x0] =	wrdreg $0x0  }
0xa9: {  	s6 =	sshll.u32 s28, $0x1;
	[dreg:$0x2] =	wrdreg s4  }
0xaa: {  	[dreg:$0x3] =	wrdreg s6  }
0xab: {  	[dreg:$0x4] =	wrdreg $0xC0  }
0xac: {  	_ =	task [dreg:s8], $0x5FFFF  }
0xad: {  	[dreg:$0x1] =	wrdreg $0xFFFFFFFF  }
0xae: {  	[dreg:$0x0] =	wrdreg $0x60  }
0xaf: {  	[dreg:$0x2] =	wrdreg s24  }
0xb0: {  	[dreg:$0x3] =	wrdreg s2  }
0xb1: {  	[dreg:$0x4] =	wrdreg s18  }
0xb2: {  	[dreg:$0x5] =	wrdreg $0x9  }
0xb3: {  	_ =	task.clear_ibuf [dreg:s8], $0x6FFFF;
	_ =	strace $0x90000046  }
0xb4: {  	s29 =	simm.s32 $0x9;
	_ =	strace $0x80000048  }
0xb5: {  	_ =	swait.ge [sflag:s29], $0x1  }
0xb6: {  	[sflag:s29] =	ssyncadd.s32 $0xFFFFFFFF  }
0xb7: {  	_ =	strace $0x90000048  }
0xb8: {  	_ =	sfence  }
0xb9: {  	s30 =	sld [smem:$0x0];
	_ =	sdelay $0x2  }
0xba: {  	s31 =	sshll.u32 s1, $0xD;
	s1 =	sshrl.u32 s1, $0x2  }
0xbb: {  	s3 =	sand.u32 $0x4000, s31;
	s1 =	sadd.s32 s1, s30  }
0xbc: {  	s0 =	sor.u32 s3, s0;
	s1 =	sshll.u32 s1, $0x11  }
0xbd: {  	s0 =	sor.u32 s1, s0  }
0xbe: {  	s0 =	sadd.s32 $0x8F2B, s0  }
0xbf: {  	[sflag:s0] =	ssyncadd.remote.s32 $0x1  }
0xc0: {  	_ =	sfence.sel $0xFFFF  }
0xc1: {  	[dreg:$0x0] =	wrdreg $0xFFFFFFFF;
	(pc) =	sbr.abs _section_cstart, $3  }
0xc2: {  	[dreg:$0x1] =	wrdreg $0xFFFFFFFF  }
0xc3: {  	_ =	task.clear_ibuf [dreg:s8], $0x2FFFF;
	_ =	strace $0x9FFFFFFF  }
0xc4: {  	(tm) =	ssettm $0x7FFFFFFF  }
0xc5: {  	_ =	shalt  }
tec
execute0_lowered:
.L_overlay_start_1:
0x0: {  	(tag) =	ssettag $0x1  }
0x1: {  	s0 =	srdreg.scid  }
0x2: {  	s1 =	rddreg [dreg:$0x0];
	s3 =	stileid.u32;
	s0 =	sand.u32 $0x1, s0  }
0x3: {  	s2 =	rddreg [dreg:$0x1];
	s3 =	sshll.u32 s3, $0xA;
	s4 =	sshll.u32 s0, $0x9  }
0x4: {  	s5 =	rddreg [dreg:$0x2];
	s4 =	sor.u32 s4, s3  }
0x5: {  	s3 =	simm.s32 $0x0;
	s6 =	sshrl.u32 s4, $0x3;
	s4 =	sshll.u32 s4, $0x7  }
0x6: {  	[smem:$0x7FF] =	sst s3;
	s1 =	sadd.s32 s6, s1;
	s7 =	sadd.s32 s5, s4  }
0x7: {  	_ =	strace $0x80000047;
	s1 =	sadd.s32 $0x400, s1;
	[dreg:$0x14] =	wrdreg s7  }
0x8: {  	s14 =	sadd.s32 $0x1000, s7;
	[dreg:$0x4] =	wrdreg s1  }
0x9: {  	s15 =	sadd.s32 $0x2000, s7;
	[dreg:$0x5] =	wrdreg s14  }
0xa: {  	s16 =	sadd.s32 $0x3000, s7;
	[dreg:$0x6] =	wrdreg s15  }
0xb: {  	s17 =	sadd.s32 $0x4000, s7;
	[dreg:$0x7] =	wrdreg s16  }
0xc: {  	s18 =	sadd.s32 $0x5000, s7;
	[dreg:$0x8] =	wrdreg s17  }
0xd: {  	s10 =	simm.s32 $0x200;
	s19 =	sadd.s32 $0x6000, s7;
	[dreg:$0x9] =	wrdreg s18  }
0xe: {  	s9 =	simm.s32 $0x1;
	s20 =	sadd.s32 $0x7000, s7;
	[dreg:$0xa] =	wrdreg s19  }
0xf: {  	s28 =	simm.s32 $0x8200;
	s21 =	sadd.s32 $0x8000, s7;
	[dreg:$0xb] =	wrdreg s20  }
0x10: {  	s0 =	ssub.s32 $0x2, s0;
	s22 =	sadd.s32 $0x9000, s7;
	[dreg:$0xc] =	wrdreg s21  }
0x11: {  	s25 =	sshrl.u32 s0, $0x1;
	s23 =	sadd.s32 $0xA000, s7;
	[dreg:$0xd] =	wrdreg s22  }
0x12: {  	s0 =	ssub.s32 s0, s25;
	s24 =	sadd.s32 $0xB000, s7;
	[dreg:$0xe] =	wrdreg s23  }
0x13: {  	s5 =	sadd.s32 $0x100, s2;
	s26 =	sadd.s32 $0xC000, s7;
	[dreg:$0xf] =	wrdreg s24  }
0x14: {  	s6 =	sadd.s32 $0x200, s2;
	s29 =	sadd.s32 $0xD000, s7;
	[dreg:$0x10] =	wrdreg s26  }
0x15: {  	v2 =	vlaneseq.u32;
	s8 =	smax.u32 s0, $0x1;
	s30 =	sadd.s32 $0xE000, s7;
	[dreg:$0x11] =	wrdreg s29  }
0x16: {  	vm0 =	vmmov $0xffff;
	v1 =	vshrl.u32 v2, $0x3;
	s31 =	sadd.s32 $0xF000, s7;
	s7 =	sadd.s32 $0x300, s2;
	[dreg:$0x12] =	wrdreg s30  }
0x17: {  	v0 =	vand.u32 $0x7, v2;
	v2 =	vor.u32 $0x8, v2;
	v1 =	vmul.u32 $0x8, v1;
	[dreg:$0x13] =	wrdreg s31;
	s24 =	simm.s32 $0x10200;
	s1 =	simm.s32 $0x2  }
.LBB2_1:
0x18: {  	s0 =	rddreg [dreg:$0x4];
	s19 =	simm.s32 $0x3  }
0x19: {  	[tilespmem:s3], [sflag:$0x3] =	stream.linear.gather [hbm4b:s0+s3], $0x200, $0x38;
	[tilespmem:$0x18200] =	vst v63  }
0x1a: {  	_ =	swait.ge [sflag:s19], $0x200  }
0x1b: {  	[sflag:s19] =	ssyncset.done $0x0  }
0x1c: {  	[sflag:s19] =	ssyncadd.s32 $0xFFFFFE00  }
0x1d: {  	v3 =	vld [tilespmem:$0x0];
	_ =	sdelay $0x4  }
0x1e: {  	v4 =	vshll.u32 v3, $0x3  }
0x1f: {  	v3 =	vand.u32 $0x7, v3;
	v4 =	vand.u32 $0xFFFFFFC0, v4  }
0x20: {  	v3 =	vor.u32 v3, v4  }
0x21: {  	v4 =	vperm.xlane v3, v0;
	_ =	sdelay $0x1  }
0x22: {  	v4 =	vadd.s32 v1, v4;
	_ =	sdelay $0x4  }
0x23: {  	[tilespmem:s10], [sflag:$0x1] =	stream.indirect_vreg.gather [hbm4b:s2+s3], $0x80, v4, vm0, $0xb8;
	[tilespmem:$0x18200] =	vst v63  }
0x24: {  	s20 =	simm.s32 $0xA00;
	v3 =	vperm.xlane v3, v2  }
0x25: {  	[tilespmem:s20], [sflag:$0x1] =	stream.indirect_vreg.gather [hbm4b:s5+s3], $0x80, v4, vm0, $0xb8;
	[tilespmem:$0x18200] =	vst v63  }
0x26: {  	s21 =	simm.s32 $0x1200;
	v3 =	vadd.s32 v1, v3  }
0x27: {  	[tilespmem:s21], [sflag:$0x1] =	stream.indirect_vreg.gather [hbm4b:s6+s3], $0x80, v4, vm0, $0xb8;
	[tilespmem:$0x18200] =	vst v63  }
0x28: {  	s22 =	simm.s32 $0x1A00  }
0x29: {  	[tilespmem:s22], [sflag:$0x1] =	stream.indirect_vreg.gather [hbm4b:s7+s3], $0x80, v4, vm0, $0xb8;
	[tilespmem:$0x18200] =	vst v63  }
0x2a: {  	s23 =	simm.s32 $0x2200  }
0x2b: {  	[tilespmem:s23], [sflag:$0x1] =	stream.indirect_vreg.gather [hbm4b:s2+s3], $0x80, v3, vm0, $0xb8;
	[tilespmem:$0x18200] =	vst v63  }
0x2c: {  	s25 =	simm.s32 $0x2A00  }
0x2d: {  	[tilespmem:s25], [sflag:$0x1] =	stream.indirect_vreg.gather [hbm4b:s5+s3], $0x80, v3, vm0, $0xb8;
	[tilespmem:$0x18200] =	vst v63  }
0x2e: {  	s29 =	simm.s32 $0x3200  }
0x2f: {  	[tilespmem:s29], [sflag:$0x1] =	stream.indirect_vreg.gather [hbm4b:s6+s3], $0x80, v3, vm0, $0xb8;
	[tilespmem:$0x18200] =	vst v63  }
0x30: {  	s30 =	simm.s32 $0x3A00  }
0x31: {  	[tilespmem:s30], [sflag:$0x1] =	stream.indirect_vreg.gather [hbm4b:s7+s3], $0x80, v3, vm0, $0xb8;
	[tilespmem:$0x18200] =	vst v63  }
0x32: {  	v3 =	vld [tilespmem:$0x10];
	_ =	sdelay $0x4  }
0x33: {  	v33 =	vshll.u32 v3, $0x3  }
0x34: {  	v3 =	vand.u32 $0x7, v3;
	v4 =	vand.u32 $0xFFFFFFC0, v33  }
0x35: {  	v3 =	vor.u32 v3, v4  }
0x36: {  	v4 =	vperm.xlane v3, v0;
	_ =	sdelay $0x1  }
0x37: {  	v4 =	vadd.s32 v1, v4;
	_ =	sdelay $0x3  }
0x38: {  	s31 =	simm.s32 $0x4200  }
0x39: {  	[tilespmem:s31], [sflag:$0x1] =	stream.indirect_vreg.gather [hbm4b:s2+s3], $0x80, v4, vm0, $0xb8;
	[tilespmem:$0x18200] =	vst v63  }
0x3a: {  	s15 =	simm.s32 $0x4A00;
	v3 =	vperm.xlane v3, v2  }
0x3b: {  	[tilespmem:s15], [sflag:$0x1] =	stream.indirect_vreg.gather [hbm4b:s5+s3], $0x80, v4, vm0, $0xb8;
	[tilespmem:$0x18200] =	vst v63  }
0x3c: {  	s16 =	simm.s32 $0x5200;
	v3 =	vadd.s32 v1, v3  }
0x3d: {  	[tilespmem:s16], [sflag:$0x1] =	stream.indirect_vreg.gather [hbm4b:s6+s3], $0x80, v4, vm0, $0xb8;
	[tilespmem:$0x18200] =	vst v63  }
0x3e: {  	s17 =	simm.s32 $0x5A00  }
0x3f: {  	[tilespmem:s17], [sflag:$0x1] =	stream.indirect_vreg.gather [hbm4b:s7+s3], $0x80, v4, vm0, $0xb8;
	[tilespmem:$0x18200] =	vst v63  }
0x40: {  	s18 =	simm.s32 $0x6200  }
0x41: {  	[tilespmem:s18], [sflag:$0x1] =	stream.indirect_vreg.gather [hbm4b:s2+s3], $0x80, v3, vm0, $0xb8;
	[tilespmem:$0x18200] =	vst v63  }
0x42: {  	s19 =	simm.s32 $0x6A00  }
0x43: {  	[tilespmem:s19], [sflag:$0x1] =	stream.indirect_vreg.gather [hbm4b:s5+s3], $0x80, v3, vm0, $0xb8;
	[tilespmem:$0x18200] =	vst v63  }
0x44: {  	s23 =	simm.s32 $0x7200  }
0x45: {  	[tilespmem:s23], [sflag:$0x1] =	stream.indirect_vreg.gather [hbm4b:s6+s3], $0x80, v3, vm0, $0xb8;
	[tilespmem:$0x18200] =	vst v63  }
0x46: {  	s25 =	simm.s32 $0x7A00  }
0x47: {  	[tilespmem:s25], [sflag:$0x1] =	stream.indirect_vreg.gather [hbm4b:s7+s3], $0x80, v3, vm0, $0xb8;
	[tilespmem:$0x18200] =	vst v63  }
0x48: {  	v3 =	vld [tilespmem:$0x20];
	_ =	sdelay $0x4  }
0x49: {  	v34 =	vshll.u32 v3, $0x3  }
0x4a: {  	v3 =	vand.u32 $0x7, v3;
	v4 =	vand.u32 $0xFFFFFFC0, v34  }
0x4b: {  	v3 =	vor.u32 v3, v4  }
0x4c: {  	v4 =	vperm.xlane v3, v0;
	_ =	sdelay $0x1  }
0x4d: {  	v4 =	vadd.s32 v1, v4;
	_ =	sdelay $0x4  }
0x4e: {  	[tilespmem:s28], [sflag:$0x1] =	stream.indirect_vreg.gather [hbm4b:s2+s3], $0x80, v4, vm0, $0xb8;
	[tilespmem:$0x18200] =	vst v63  }
0x4f: {  	s29 =	simm.s32 $0x8A00;
	v3 =	vperm.xlane v3, v2  }
0x50: {  	[tilespmem:s29], [sflag:$0x1] =	stream.indirect_vreg.gather [hbm4b:s5+s3], $0x80, v4, vm0, $0xb8;
	[tilespmem:$0x18200] =	vst v63  }
0x51: {  	s30 =	simm.s32 $0x9200;
	v3 =	vadd.s32 v1, v3  }
0x52: {  	[tilespmem:s30], [sflag:$0x1] =	stream.indirect_vreg.gather [hbm4b:s6+s3], $0x80, v4, vm0, $0xb8;
	[tilespmem:$0x18200] =	vst v63  }
0x53: {  	s31 =	simm.s32 $0x9A00  }
0x54: {  	[tilespmem:s31], [sflag:$0x1] =	stream.indirect_vreg.gather [hbm4b:s7+s3], $0x80, v4, vm0, $0xb8;
	[tilespmem:$0x18200] =	vst v63  }
0x55: {  	s29 =	simm.s32 $0xA200  }
0x56: {  	[tilespmem:s29], [sflag:$0x1] =	stream.indirect_vreg.gather [hbm4b:s2+s3], $0x80, v3, vm0, $0xb8;
	[tilespmem:$0x18200] =	vst v63  }
0x57: {  	s30 =	simm.s32 $0xAA00  }
0x58: {  	[tilespmem:s30], [sflag:$0x1] =	stream.indirect_vreg.gather [hbm4b:s5+s3], $0x80, v3, vm0, $0xb8;
	[tilespmem:$0x18200] =	vst v63  }
0x59: {  	s31 =	simm.s32 $0xB200  }
0x5a: {  	[tilespmem:s31], [sflag:$0x1] =	stream.indirect_vreg.gather [hbm4b:s6+s3], $0x80, v3, vm0, $0xb8;
	[tilespmem:$0x18200] =	vst v63  }
0x5b: {  	s29 =	simm.s32 $0xBA00  }
0x5c: {  	[tilespmem:s29], [sflag:$0x1] =	stream.indirect_vreg.gather [hbm4b:s7+s3], $0x80, v3, vm0, $0xb8;
	[tilespmem:$0x18200] =	vst v63  }
0x5d: {  	v3 =	vld [tilespmem:$0x30];
	_ =	sdelay $0x4  }
0x5e: {  	v35 =	vshll.u32 v3, $0x3  }
0x5f: {  	v3 =	vand.u32 $0x7, v3;
	v4 =	vand.u32 $0xFFFFFFC0, v35  }
0x60: {  	v3 =	vor.u32 v3, v4  }
0x61: {  	v4 =	vperm.xlane v3, v0;
	_ =	sdelay $0x1  }
0x62: {  	v4 =	vadd.s32 v1, v4;
	_ =	sdelay $0x3  }
0x63: {  	s30 =	simm.s32 $0xC200  }
0x64: {  	[tilespmem:s30], [sflag:$0x1] =	stream.indirect_vreg.gather [hbm4b:s2+s3], $0x80, v4, vm0, $0xb8;
	[tilespmem:$0x18200] =	vst v63  }
0x65: {  	s31 =	simm.s32 $0xCA00;
	v3 =	vperm.xlane v3, v2  }
0x66: {  	[tilespmem:s31], [sflag:$0x1] =	stream.indirect_vreg.gather [hbm4b:s5+s3], $0x80, v4, vm0, $0xb8;
	[tilespmem:$0x18200] =	vst v63  }
0x67: {  	s0 =	simm.s32 $0xD200;
	v3 =	vadd.s32 v1, v3  }
0x68: {  	[tilespmem:s0], [sflag:$0x1] =	stream.indirect_vreg.gather [hbm4b:s6+s3], $0x80, v4, vm0, $0xb8;
	[tilespmem:$0x18200] =	vst v63  }
0x69: {  	s0 =	simm.s32 $0xDA00  }
0x6a: {  	[tilespmem:s0], [sflag:$0x1] =	stream.indirect_vreg.gather [hbm4b:s7+s3], $0x80, v4, vm0, $0xb8;
	[tilespmem:$0x18200] =	vst v63  }
0x6b: {  	s0 =	simm.s32 $0xE200  }
0x6c: {  	[tilespmem:s0], [sflag:$0x1] =	stream.indirect_vreg.gather [hbm4b:s2+s3], $0x80, v3, vm0, $0xb8;
	[tilespmem:$0x18200] =	vst v63  }
0x6d: {  	s0 =	simm.s32 $0xEA00  }
0x6e: {  	[tilespmem:s0], [sflag:$0x1] =	stream.indirect_vreg.gather [hbm4b:s5+s3], $0x80, v3, vm0, $0xb8;
	[tilespmem:$0x18200] =	vst v63  }
0x6f: {  	s0 =	simm.s32 $0xF200  }
0x70: {  	[tilespmem:s0], [sflag:$0x1] =	stream.indirect_vreg.gather [hbm4b:s6+s3], $0x80, v3, vm0, $0xb8;
	[tilespmem:$0x18200] =	vst v63  }
0x71: {  	s0 =	simm.s32 $0xFA00  }
0x72: {  	[tilespmem:s0], [sflag:$0x1] =	stream.indirect_vreg.gather [hbm4b:s7+s3], $0x80, v3, vm0, $0xb8;
	[tilespmem:$0x18200] =	vst v63  }
0x73: {  	_ =	swait.ge [sflag:s9], $0x8000  }
0x74: {  	[sflag:s9] =	ssyncset.done $0x0  }
0x75: {  	s0 =	rddreg [dreg:$0x14];
	[sflag:s9] =	ssyncadd.s32 $0xFFFF8000  }
0x76: {  	[hbm4b:s0+s3] =	stream.linear.scatter [tilespmem:s10], [sflag:$0x2], $0x8000, $0x38;
	[tilespmem:$0x18200] =	vst v63  }
0x77: {  	v3 =	vld [tilespmem:$0x40];
	_ =	sdelay $0x4  }
0x78: {  	v36 =	vshll.u32 v3, $0x3  }
0x79: {  	v3 =	vand.u32 $0x7, v3;
	v4 =	vand.u32 $0xFFFFFFC0, v36  }
0x7a: {  	v3 =	vor.u32 v3, v4  }
0x7b: {  	v4 =	vperm.xlane v3, v0;
	_ =	sdelay $0x1  }
0x7c: {  	v4 =	vadd.s32 v1, v4;
	_ =	sdelay $0x4  }
0x7d: {  	[tilespmem:s24], [sflag:$0x1] =	stream.indirect_vreg.gather [hbm4b:s2+s3], $0x80, v4, vm0, $0xb8;
	[tilespmem:$0x18200] =	vst v63  }
0x7e: {  	s0 =	simm.s32 $0x10A00;
	v3 =	vperm.xlane v3, v2  }
0x7f: {  	[tilespmem:s0], [sflag:$0x1] =	stream.indirect_vreg.gather [hbm4b:s5+s3], $0x80, v4, vm0, $0xb8;
	[tilespmem:$0x18200] =	vst v63  }
0x80: {  	v3 =	vadd.s32 v1, v3;
	s0 =	simm.s32 $0x11200  }
0x81: {  	[tilespmem:s0], [sflag:$0x1] =	stream.indirect_vreg.gather [hbm4b:s6+s3], $0x80, v4, vm0, $0xb8;
	[tilespmem:$0x18200] =	vst v63  }
0x82: {  	s0 =	simm.s32 $0x11A00  }
0x83: {  	[tilespmem:s0], [sflag:$0x1] =	stream.indirect_vreg.gather [hbm4b:s7+s3], $0x80, v4, vm0, $0xb8;
	[tilespmem:$0x18200] =	vst v63  }
0x84: {  	s0 =	simm.s32 $0x12200  }
0x85: {  	[tilespmem:s0], [sflag:$0x1] =	stream.indirect_vreg.gather [hbm4b:s2+s3], $0x80, v3, vm0, $0xb8;
	[tilespmem:$0x18200] =	vst v63  }
0x86: {  	s0 =	simm.s32 $0x12A00  }
0x87: {  	[tilespmem:s0], [sflag:$0x1] =	stream.indirect_vreg.gather [hbm4b:s5+s3], $0x80, v3, vm0, $0xb8;
	[tilespmem:$0x18200] =	vst v63  }
0x88: {  	s0 =	simm.s32 $0x13200  }
0x89: {  	[tilespmem:s0], [sflag:$0x1] =	stream.indirect_vreg.gather [hbm4b:s6+s3], $0x80, v3, vm0, $0xb8;
	[tilespmem:$0x18200] =	vst v63  }
0x8a: {  	s0 =	simm.s32 $0x13A00  }
0x8b: {  	[tilespmem:s0], [sflag:$0x1] =	stream.indirect_vreg.gather [hbm4b:s7+s3], $0x80, v3, vm0, $0xb8;
	[tilespmem:$0x18200] =	vst v63  }
0x8c: {  	v3 =	vld [tilespmem:$0x50];
	_ =	sdelay $0x4  }
0x8d: {  	v37 =	vshll.u32 v3, $0x3  }
0x8e: {  	v3 =	vand.u32 $0x7, v3;
	v4 =	vand.u32 $0xFFFFFFC0, v37  }
0x8f: {  	v3 =	vor.u32 v3, v4  }
0x90: {  	v4 =	vperm.xlane v3, v0;
	_ =	sdelay $0x1  }
0x91: {  	v4 =	vadd.s32 v1, v4;
	_ =	sdelay $0x3  }
0x92: {  	s0 =	simm.s32 $0x14200  }
0x93: {  	[tilespmem:s0], [sflag:$0x1] =	stream.indirect_vreg.gather [hbm4b:s2+s3], $0x80, v4, vm0, $0xb8;
	[tilespmem:$0x18200] =	vst v63  }
0x94: {  	v3 =	vperm.xlane v3, v2;
	s0 =	simm.s32 $0x14A00  }
0x95: {  	[tilespmem:s0], [sflag:$0x1] =	stream.indirect_vreg.gather [hbm4b:s5+s3], $0x80, v4, vm0, $0xb8;
	[tilespmem:$0x18200] =	vst v63  }
0x96: {  	v3 =	vadd.s32 v1, v3;
	s0 =	simm.s32 $0x15200  }
0x97: {  	[tilespmem:s0], [sflag:$0x1] =	stream.indirect_vreg.gather [hbm4b:s6+s3], $0x80, v4, vm0, $0xb8;
	[tilespmem:$0x18200] =	vst v63  }
0x98: {  	s0 =	simm.s32 $0x15A00  }
0x99: {  	[tilespmem:s0], [sflag:$0x1] =	stream.indirect_vreg.gather [hbm4b:s7+s3], $0x80, v4, vm0, $0xb8;
	[tilespmem:$0x18200] =	vst v63  }
0x9a: {  	s0 =	simm.s32 $0x16200  }
0x9b: {  	[tilespmem:s0], [sflag:$0x1] =	stream.indirect_vreg.gather [hbm4b:s2+s3], $0x80, v3, vm0, $0xb8;
	[tilespmem:$0x18200] =	vst v63  }
0x9c: {  	s0 =	simm.s32 $0x16A00  }
0x9d: {  	[tilespmem:s0], [sflag:$0x1] =	stream.indirect_vreg.gather [hbm4b:s5+s3], $0x80, v3, vm0, $0xb8;
	[tilespmem:$0x18200] =	vst v63  }
0x9e: {  	s0 =	simm.s32 $0x17200  }
0x9f: {  	[tilespmem:s0], [sflag:$0x1] =	stream.indirect_vreg.gather [hbm4b:s6+s3], $0x80, v3, vm0, $0xb8;
	[tilespmem:$0x18200] =	vst v63  }
0xa0: {  	s0 =	simm.s32 $0x17A00  }
0xa1: {  	[tilespmem:s0], [sflag:$0x1] =	stream.indirect_vreg.gather [hbm4b:s7+s3], $0x80, v3, vm0, $0xb8;
	[tilespmem:$0x18200] =	vst v63  }
0xa2: {  	_ =	swait.ge [sflag:s9], $0x8000  }
0xa3: {  	[sflag:s9] =	ssyncset.done $0x0  }
0xa4: {  	s0 =	rddreg [dreg:$0x5];
	[sflag:s9] =	ssyncadd.s32 $0xFFFF8000  }
0xa5: {  	[hbm4b:s0+s3] =	stream.linear.scatter [tilespmem:s28], [sflag:$0x2], $0x8000, $0x38;
	[tilespmem:$0x18200] =	vst v63  }
0xa6: {  	_ =	swait.ge [sflag:s1], $0x8000  }
0xa7: {  	[sflag:s1] =	ssyncset.done $0x0  }
0xa8: {  	[sflag:s1] =	ssyncadd.s32 $0xFFFF8000  }
0xa9: {  	v3 =	vld [tilespmem:$0x60];
	_ =	sdelay $0x4  }
0xaa: {  	v38 =	vshll.u32 v3, $0x3  }
0xab: {  	v3 =	vand.u32 $0x7, v3;
	v4 =	vand.u32 $0xFFFFFFC0, v38  }
0xac: {  	v3 =	vor.u32 v3, v4  }
0xad: {  	v4 =	vperm.xlane v3, v0;
	_ =	sdelay $0x1  }
0xae: {  	v4 =	vadd.s32 v1, v4;
	_ =	sdelay $0x4  }
0xaf: {  	[tilespmem:s10], [sflag:$0x1] =	stream.indirect_vreg.gather [hbm4b:s2+s3], $0x80, v4, vm0, $0xb8;
	[tilespmem:$0x18200] =	vst v63  }
0xb0: {  	s26 =	simm.s32 $0xA00;
	v3 =	vperm.xlane v3, v2  }
0xb1: {  	[tilespmem:s26], [sflag:$0x1] =	stream.indirect_vreg.gather [hbm4b:s5+s3], $0x80, v4, vm0, $0xb8;
	[tilespmem:$0x18200] =	vst v63  }
0xb2: {  	s4 =	simm.s32 $0x1200;
	v3 =	vadd.s32 v1, v3  }
0xb3: {  	[tilespmem:s4], [sflag:$0x1] =	stream.indirect_vreg.gather [hbm4b:s6+s3], $0x80, v4, vm0, $0xb8;
	[tilespmem:$0x18200] =	vst v63  }
0xb4: {  	s11 =	simm.s32 $0x1A00  }
0xb5: {  	[tilespmem:s11], [sflag:$0x1] =	stream.indirect_vreg.gather [hbm4b:s7+s3], $0x80, v4, vm0, $0xb8;
	[tilespmem:$0x18200] =	vst v63  }
0xb6: {  	s12 =	simm.s32 $0x2200  }
0xb7: {  	[tilespmem:s12], [sflag:$0x1] =	stream.indirect_vreg.gather [hbm4b:s2+s3], $0x80, v3, vm0, $0xb8;
	[tilespmem:$0x18200] =	vst v63  }
0xb8: {  	s13 =	simm.s32 $0x2A00  }
0xb9: {  	[tilespmem:s13], [sflag:$0x1] =	stream.indirect_vreg.gather [hbm4b:s5+s3], $0x80, v3, vm0, $0xb8;
	[tilespmem:$0x18200] =	vst v63  }
0xba: {  	s14 =	simm.s32 $0x3200  }
0xbb: {  	[tilespmem:s14], [sflag:$0x1] =	stream.indirect_vreg.gather [hbm4b:s6+s3], $0x80, v3, vm0, $0xb8;
	[tilespmem:$0x18200] =	vst v63  }
0xbc: {  	s20 =	simm.s32 $0x3A00  }
0xbd: {  	[tilespmem:s20], [sflag:$0x1] =	stream.indirect_vreg.gather [hbm4b:s7+s3], $0x80, v3, vm0, $0xb8;
	[tilespmem:$0x18200] =	vst v63  }
0xbe: {  	v3 =	vld [tilespmem:$0x70];
	_ =	sdelay $0x4  }
0xbf: {  	v39 =	vshll.u32 v3, $0x3  }
0xc0: {  	v3 =	vand.u32 $0x7, v3;
	v4 =	vand.u32 $0xFFFFFFC0, v39  }
0xc1: {  	v3 =	vor.u32 v3, v4  }
0xc2: {  	v4 =	vperm.xlane v3, v0;
	_ =	sdelay $0x1  }
0xc3: {  	v4 =	vadd.s32 v1, v4;
	_ =	sdelay $0x3  }
0xc4: {  	s21 =	simm.s32 $0x4200  }
0xc5: {  	[tilespmem:s21], [sflag:$0x1] =	stream.indirect_vreg.gather [hbm4b:s2+s3], $0x80, v4, vm0, $0xb8;
	[tilespmem:$0x18200] =	vst v63  }
0xc6: {  	s22 =	simm.s32 $0x4A00;
	v3 =	vperm.xlane v3, v2  }
0xc7: {  	[tilespmem:s22], [sflag:$0x1] =	stream.indirect_vreg.gather [hbm4b:s5+s3], $0x80, v4, vm0, $0xb8;
	[tilespmem:$0x18200] =	vst v63  }
0xc8: {  	s15 =	simm.s32 $0x5200;
	v3 =	vadd.s32 v1, v3  }
0xc9: {  	[tilespmem:s15], [sflag:$0x1] =	stream.indirect_vreg.gather [hbm4b:s6+s3], $0x80, v4, vm0, $0xb8;
	[tilespmem:$0x18200] =	vst v63  }
0xca: {  	s16 =	simm.s32 $0x5A00  }
0xcb: {  	[tilespmem:s16], [sflag:$0x1] =	stream.indirect_vreg.gather [hbm4b:s7+s3], $0x80, v4, vm0, $0xb8;
	[tilespmem:$0x18200] =	vst v63  }
0xcc: {  	s17 =	simm.s32 $0x6200  }
0xcd: {  	[tilespmem:s17], [sflag:$0x1] =	stream.indirect_vreg.gather [hbm4b:s2+s3], $0x80, v3, vm0, $0xb8;
	[tilespmem:$0x18200] =	vst v63  }
0xce: {  	s18 =	simm.s32 $0x6A00  }
0xcf: {  	[tilespmem:s18], [sflag:$0x1] =	stream.indirect_vreg.gather [hbm4b:s5+s3], $0x80, v3, vm0, $0xb8;
	[tilespmem:$0x18200] =	vst v63  }
0xd0: {  	s19 =	simm.s32 $0x7200  }
0xd1: {  	[tilespmem:s19], [sflag:$0x1] =	stream.indirect_vreg.gather [hbm4b:s6+s3], $0x80, v3, vm0, $0xb8;
	[tilespmem:$0x18200] =	vst v63  }
0xd2: {  	s23 =	simm.s32 $0x7A00  }
0xd3: {  	[tilespmem:s23], [sflag:$0x1] =	stream.indirect_vreg.gather [hbm4b:s7+s3], $0x80, v3, vm0, $0xb8;
	[tilespmem:$0x18200] =	vst v63  }
0xd4: {  	_ =	swait.ge [sflag:s9], $0x8000  }
0xd5: {  	[sflag:s9] =	ssyncset.done $0x0  }
0xd6: {  	s0 =	rddreg [dreg:$0x6];
	[sflag:s9] =	ssyncadd.s32 $0xFFFF8000  }
0xd7: {  	[hbm4b:s0+s3] =	stream.linear.scatter [tilespmem:s24], [sflag:$0x2], $0x8000, $0x38;
	[tilespmem:$0x18200] =	vst v63  }
0xd8: {  	_ =	swait.ge [sflag:s1], $0x8000  }
0xd9: {  	[sflag:s1] =	ssyncset.done $0x0  }
0xda: {  	[sflag:s1] =	ssyncadd.s32 $0xFFFF8000  }
0xdb: {  	v3 =	vld [tilespmem:$0x80];
	_ =	sdelay $0x4  }
0xdc: {  	v40 =	vshll.u32 v3, $0x3  }
0xdd: {  	v3 =	vand.u32 $0x7, v3;
	v4 =	vand.u32 $0xFFFFFFC0, v40  }
0xde: {  	v3 =	vor.u32 v3, v4  }
0xdf: {  	v4 =	vperm.xlane v3, v0;
	_ =	sdelay $0x1  }
0xe0: {  	v4 =	vadd.s32 v1, v4;
	_ =	sdelay $0x4  }
0xe1: {  	[tilespmem:s28], [sflag:$0x1] =	stream.indirect_vreg.gather [hbm4b:s2+s3], $0x80, v4, vm0, $0xb8;
	[tilespmem:$0x18200] =	vst v63  }
0xe2: {  	s25 =	simm.s32 $0x8A00;
	v3 =	vperm.xlane v3, v2  }
0xe3: {  	[tilespmem:s25], [sflag:$0x1] =	stream.indirect_vreg.gather [hbm4b:s5+s3], $0x80, v4, vm0, $0xb8;
	[tilespmem:$0x18200] =	vst v63  }
0xe4: {  	v3 =	vadd.s32 v1, v3;
	s25 =	simm.s32 $0x9200  }
0xe5: {  	[tilespmem:s25], [sflag:$0x1] =	stream.indirect_vreg.gather [hbm4b:s6+s3], $0x80, v4, vm0, $0xb8;
	[tilespmem:$0x18200] =	vst v63  }
0xe6: {  	s25 =	simm.s32 $0x9A00  }
0xe7: {  	[tilespmem:s25], [sflag:$0x1] =	stream.indirect_vreg.gather [hbm4b:s7+s3], $0x80, v4, vm0, $0xb8;
	[tilespmem:$0x18200] =	vst v63  }
0xe8: {  	s25 =	simm.s32 $0xA200  }
0xe9: {  	[tilespmem:s25], [sflag:$0x1] =	stream.indirect_vreg.gather [hbm4b:s2+s3], $0x80, v3, vm0, $0xb8;
	[tilespmem:$0x18200] =	vst v63  }
0xea: {  	s25 =	simm.s32 $0xAA00  }
0xeb: {  	[tilespmem:s25], [sflag:$0x1] =	stream.indirect_vreg.gather [hbm4b:s5+s3], $0x80, v3, vm0, $0xb8;
	[tilespmem:$0x18200] =	vst v63  }
0xec: {  	s25 =	simm.s32 $0xB200  }
0xed: {  	[tilespmem:s25], [sflag:$0x1] =	stream.indirect_vreg.gather [hbm4b:s6+s3], $0x80, v3, vm0, $0xb8;
	[tilespmem:$0x18200] =	vst v63  }
0xee: {  	s29 =	simm.s32 $0xBA00  }
0xef: {  	[tilespmem:s29], [sflag:$0x1] =	stream.indirect_vreg.gather [hbm4b:s7+s3], $0x80, v3, vm0, $0xb8;
	[tilespmem:$0x18200] =	vst v63  }
0xf0: {  	v3 =	vld [tilespmem:$0x90];
	_ =	sdelay $0x4  }
0xf1: {  	v41 =	vshll.u32 v3, $0x3  }
0xf2: {  	v3 =	vand.u32 $0x7, v3;
	v4 =	vand.u32 $0xFFFFFFC0, v41  }
0xf3: {  	v3 =	vor.u32 v3, v4  }
0xf4: {  	v4 =	vperm.xlane v3, v0;
	_ =	sdelay $0x1  }
0xf5: {  	v4 =	vadd.s32 v1, v4;
	_ =	sdelay $0x3  }
0xf6: {  	s30 =	simm.s32 $0xC200  }
0xf7: {  	[tilespmem:s30], [sflag:$0x1] =	stream.indirect_vreg.gather [hbm4b:s2+s3], $0x80, v4, vm0, $0xb8;
	[tilespmem:$0x18200] =	vst v63  }
0xf8: {  	s31 =	simm.s32 $0xCA00;
	v3 =	vperm.xlane v3, v2  }
0xf9: {  	[tilespmem:s31], [sflag:$0x1] =	stream.indirect_vreg.gather [hbm4b:s5+s3], $0x80, v4, vm0, $0xb8;
	[tilespmem:$0x18200] =	vst v63  }
0xfa: {  	s25 =	simm.s32 $0xD200;
	v3 =	vadd.s32 v1, v3  }
0xfb: {  	[tilespmem:s25], [sflag:$0x1] =	stream.indirect_vreg.gather [hbm4b:s6+s3], $0x80, v4, vm0, $0xb8;
	[tilespmem:$0x18200] =	vst v63  }
0xfc: {  	s29 =	simm.s32 $0xDA00  }
0xfd: {  	[tilespmem:s29], [sflag:$0x1] =	stream.indirect_vreg.gather [hbm4b:s7+s3], $0x80, v4, vm0, $0xb8;
	[tilespmem:$0x18200] =	vst v63  }
0xfe: {  	s30 =	simm.s32 $0xE200  }
0xff: {  	[tilespmem:s30], [sflag:$0x1] =	stream.indirect_vreg.gather [hbm4b:s2+s3], $0x80, v3, vm0, $0xb8;
	[tilespmem:$0x18200] =	vst v63  }
0x100: {  	s31 =	simm.s32 $0xEA00  }
0x101: {  	[tilespmem:s31], [sflag:$0x1] =	stream.indirect_vreg.gather [hbm4b:s5+s3], $0x80, v3, vm0, $0xb8;
	[tilespmem:$0x18200] =	vst v63  }
0x102: {  	s25 =	simm.s32 $0xF200  }
0x103: {  	[tilespmem:s25], [sflag:$0x1] =	stream.indirect_vreg.gather [hbm4b:s6+s3], $0x80, v3, vm0, $0xb8;
	[tilespmem:$0x18200] =	vst v63  }
0x104: {  	s29 =	simm.s32 $0xFA00  }
0x105: {  	[tilespmem:s29], [sflag:$0x1] =	stream.indirect_vreg.gather [hbm4b:s7+s3], $0x80, v3, vm0, $0xb8;
	[tilespmem:$0x18200] =	vst v63  }
0x106: {  	_ =	swait.ge [sflag:s9], $0x8000  }
0x107: {  	[sflag:s9] =	ssyncset.done $0x0  }
0x108: {  	s30 =	rddreg [dreg:$0x7];
	[sflag:s9] =	ssyncadd.s32 $0xFFFF8000  }
0x109: {  	[hbm4b:s30+s3] =	stream.linear.scatter [tilespmem:s10], [sflag:$0x2], $0x8000, $0x38;
	[tilespmem:$0x18200] =	vst v63  }
0x10a: {  	_ =	swait.ge [sflag:s1], $0x8000  }
0x10b: {  	[sflag:s1] =	ssyncset.done $0x0  }
0x10c: {  	[sflag:s1] =	ssyncadd.s32 $0xFFFF8000  }
0x10d: {  	v3 =	vld [tilespmem:$0xA0];
	_ =	sdelay $0x4  }
0x10e: {  	v42 =	vshll.u32 v3, $0x3  }
0x10f: {  	v3 =	vand.u32 $0x7, v3;
	v4 =	vand.u32 $0xFFFFFFC0, v42  }
0x110: {  	v3 =	vor.u32 v3, v4  }
0x111: {  	v4 =	vperm.xlane v3, v0;
	_ =	sdelay $0x1  }
0x112: {  	v4 =	vadd.s32 v1, v4;
	_ =	sdelay $0x4  }
0x113: {  	[tilespmem:s24], [sflag:$0x1] =	stream.indirect_vreg.gather [hbm4b:s2+s3], $0x80, v4, vm0, $0xb8;
	[tilespmem:$0x18200] =	vst v63  }
0x114: {  	s31 =	simm.s32 $0x10A00;
	v3 =	vperm.xlane v3, v2  }
0x115: {  	[tilespmem:s31], [sflag:$0x1] =	stream.indirect_vreg.gather [hbm4b:s5+s3], $0x80, v4, vm0, $0xb8;
	[tilespmem:$0x18200] =	vst v63  }
0x116: {  	s25 =	simm.s32 $0x11200;
	v3 =	vadd.s32 v1, v3  }
0x117: {  	[tilespmem:s25], [sflag:$0x1] =	stream.indirect_vreg.gather [hbm4b:s6+s3], $0x80, v4, vm0, $0xb8;
	[tilespmem:$0x18200] =	vst v63  }
0x118: {  	s29 =	simm.s32 $0x11A00  }
0x119: {  	[tilespmem:s29], [sflag:$0x1] =	stream.indirect_vreg.gather [hbm4b:s7+s3], $0x80, v4, vm0, $0xb8;
	[tilespmem:$0x18200] =	vst v63  }
0x11a: {  	s30 =	simm.s32 $0x12200  }
0x11b: {  	[tilespmem:s30], [sflag:$0x1] =	stream.indirect_vreg.gather [hbm4b:s2+s3], $0x80, v3, vm0, $0xb8;
	[tilespmem:$0x18200] =	vst v63  }
0x11c: {  	s31 =	simm.s32 $0x12A00  }
0x11d: {  	[tilespmem:s31], [sflag:$0x1] =	stream.indirect_vreg.gather [hbm4b:s5+s3], $0x80, v3, vm0, $0xb8;
	[tilespmem:$0x18200] =	vst v63  }
0x11e: {  	s0 =	simm.s32 $0x13200  }
0x11f: {  	[tilespmem:s0], [sflag:$0x1] =	stream.indirect_vreg.gather [hbm4b:s6+s3], $0x80, v3, vm0, $0xb8;
	[tilespmem:$0x18200] =	vst v63  }
0x120: {  	s0 =	simm.s32 $0x13A00  }
0x121: {  	[tilespmem:s0], [sflag:$0x1] =	stream.indirect_vreg.gather [hbm4b:s7+s3], $0x80, v3, vm0, $0xb8;
	[tilespmem:$0x18200] =	vst v63  }
0x122: {  	v3 =	vld [tilespmem:$0xB0];
	_ =	sdelay $0x4  }
0x123: {  	v43 =	vshll.u32 v3, $0x3  }
0x124: {  	v3 =	vand.u32 $0x7, v3;
	v4 =	vand.u32 $0xFFFFFFC0, v43  }
0x125: {  	v3 =	vor.u32 v3, v4  }
0x126: {  	v4 =	vperm.xlane v3, v0;
	_ =	sdelay $0x1  }
0x127: {  	v4 =	vadd.s32 v1, v4;
	_ =	sdelay $0x3  }
0x128: {  	s0 =	simm.s32 $0x14200  }
0x129: {  	[tilespmem:s0], [sflag:$0x1] =	stream.indirect_vreg.gather [hbm4b:s2+s3], $0x80, v4, vm0, $0xb8;
	[tilespmem:$0x18200] =	vst v63  }
0x12a: {  	v3 =	vperm.xlane v3, v2;
	s0 =	simm.s32 $0x14A00  }
0x12b: {  	[tilespmem:s0], [sflag:$0x1] =	stream.indirect_vreg.gather [hbm4b:s5+s3], $0x80, v4, vm0, $0xb8;
	[tilespmem:$0x18200] =	vst v63  }
0x12c: {  	v3 =	vadd.s32 v1, v3;
	s0 =	simm.s32 $0x15200  }
0x12d: {  	[tilespmem:s0], [sflag:$0x1] =	stream.indirect_vreg.gather [hbm4b:s6+s3], $0x80, v4, vm0, $0xb8;
	[tilespmem:$0x18200] =	vst v63  }
0x12e: {  	s0 =	simm.s32 $0x15A00  }
0x12f: {  	[tilespmem:s0], [sflag:$0x1] =	stream.indirect_vreg.gather [hbm4b:s7+s3], $0x80, v4, vm0, $0xb8;
	[tilespmem:$0x18200] =	vst v63  }
0x130: {  	s0 =	simm.s32 $0x16200  }
0x131: {  	[tilespmem:s0], [sflag:$0x1] =	stream.indirect_vreg.gather [hbm4b:s2+s3], $0x80, v3, vm0, $0xb8;
	[tilespmem:$0x18200] =	vst v63  }
0x132: {  	s0 =	simm.s32 $0x16A00  }
0x133: {  	[tilespmem:s0], [sflag:$0x1] =	stream.indirect_vreg.gather [hbm4b:s5+s3], $0x80, v3, vm0, $0xb8;
	[tilespmem:$0x18200] =	vst v63  }
0x134: {  	s0 =	simm.s32 $0x17200  }
0x135: {  	[tilespmem:s0], [sflag:$0x1] =	stream.indirect_vreg.gather [hbm4b:s6+s3], $0x80, v3, vm0, $0xb8;
	[tilespmem:$0x18200] =	vst v63  }
0x136: {  	s0 =	simm.s32 $0x17A00  }
0x137: {  	[tilespmem:s0], [sflag:$0x1] =	stream.indirect_vreg.gather [hbm4b:s7+s3], $0x80, v3, vm0, $0xb8;
	[tilespmem:$0x18200] =	vst v63  }
0x138: {  	_ =	swait.ge [sflag:s9], $0x8000  }
0x139: {  	[sflag:s9] =	ssyncset.done $0x0  }
0x13a: {  	s0 =	rddreg [dreg:$0x8];
	[sflag:s9] =	ssyncadd.s32 $0xFFFF8000  }
0x13b: {  	[hbm4b:s0+s3] =	stream.linear.scatter [tilespmem:s28], [sflag:$0x2], $0x8000, $0x38;
	[tilespmem:$0x18200] =	vst v63  }
0x13c: {  	_ =	swait.ge [sflag:s1], $0x8000  }
0x13d: {  	[sflag:s1] =	ssyncset.done $0x0  }
0x13e: {  	[sflag:s1] =	ssyncadd.s32 $0xFFFF8000  }
0x13f: {  	v3 =	vld [tilespmem:$0xC0];
	_ =	sdelay $0x4  }
0x140: {  	v44 =	vshll.u32 v3, $0x3  }
0x141: {  	v3 =	vand.u32 $0x7, v3;
	v4 =	vand.u32 $0xFFFFFFC0, v44  }
0x142: {  	v3 =	vor.u32 v3, v4  }
0x143: {  	v4 =	vperm.xlane v3, v0;
	_ =	sdelay $0x1  }
0x144: {  	v4 =	vadd.s32 v1, v4;
	_ =	sdelay $0x4  }
0x145: {  	[tilespmem:s10], [sflag:$0x1] =	stream.indirect_vreg.gather [hbm4b:s2+s3], $0x80, v4, vm0, $0xb8;
	[tilespmem:$0x18200] =	vst v63  }
0x146: {  	s26 =	simm.s32 $0xA00;
	v3 =	vperm.xlane v3, v2  }
0x147: {  	[tilespmem:s26], [sflag:$0x1] =	stream.indirect_vreg.gather [hbm4b:s5+s3], $0x80, v4, vm0, $0xb8;
	[tilespmem:$0x18200] =	vst v63  }
0x148: {  	s4 =	simm.s32 $0x1200;
	v3 =	vadd.s32 v1, v3  }
0x149: {  	[tilespmem:s4], [sflag:$0x1] =	stream.indirect_vreg.gather [hbm4b:s6+s3], $0x80, v4, vm0, $0xb8;
	[tilespmem:$0x18200] =	vst v63  }
0x14a: {  	s11 =	simm.s32 $0x1A00  }
0x14b: {  	[tilespmem:s11], [sflag:$0x1] =	stream.indirect_vreg.gather [hbm4b:s7+s3], $0x80, v4, vm0, $0xb8;
	[tilespmem:$0x18200] =	vst v63  }
0x14c: {  	s12 =	simm.s32 $0x2200  }
0x14d: {  	[tilespmem:s12], [sflag:$0x1] =	stream.indirect_vreg.gather [hbm4b:s2+s3], $0x80, v3, vm0, $0xb8;
	[tilespmem:$0x18200] =	vst v63  }
0x14e: {  	s13 =	simm.s32 $0x2A00  }
0x14f: {  	[tilespmem:s13], [sflag:$0x1] =	stream.indirect_vreg.gather [hbm4b:s5+s3], $0x80, v3, vm0, $0xb8;
	[tilespmem:$0x18200] =	vst v63  }
0x150: {  	s14 =	simm.s32 $0x3200  }
0x151: {  	[tilespmem:s14], [sflag:$0x1] =	stream.indirect_vreg.gather [hbm4b:s6+s3], $0x80, v3, vm0, $0xb8;
	[tilespmem:$0x18200] =	vst v63  }
0x152: {  	s20 =	simm.s32 $0x3A00  }
0x153: {  	[tilespmem:s20], [sflag:$0x1] =	stream.indirect_vreg.gather [hbm4b:s7+s3], $0x80, v3, vm0, $0xb8;
	[tilespmem:$0x18200] =	vst v63  }
0x154: {  	v3 =	vld [tilespmem:$0xD0];
	_ =	sdelay $0x4  }
0x155: {  	v45 =	vshll.u32 v3, $0x3  }
0x156: {  	v3 =	vand.u32 $0x7, v3;
	v4 =	vand.u32 $0xFFFFFFC0, v45  }
0x157: {  	v3 =	vor.u32 v3, v4  }
0x158: {  	v4 =	vperm.xlane v3, v0;
	_ =	sdelay $0x1  }
0x159: {  	v4 =	vadd.s32 v1, v4;
	_ =	sdelay $0x3  }
0x15a: {  	s21 =	simm.s32 $0x4200  }
0x15b: {  	[tilespmem:s21], [sflag:$0x1] =	stream.indirect_vreg.gather [hbm4b:s2+s3], $0x80, v4, vm0, $0xb8;
	[tilespmem:$0x18200] =	vst v63  }
0x15c: {  	s22 =	simm.s32 $0x4A00;
	v3 =	vperm.xlane v3, v2  }
0x15d: {  	[tilespmem:s22], [sflag:$0x1] =	stream.indirect_vreg.gather [hbm4b:s5+s3], $0x80, v4, vm0, $0xb8;
	[tilespmem:$0x18200] =	vst v63  }
0x15e: {  	s15 =	simm.s32 $0x5200;
	v3 =	vadd.s32 v1, v3  }
0x15f: {  	[tilespmem:s15], [sflag:$0x1] =	stream.indirect_vreg.gather [hbm4b:s6+s3], $0x80, v4, vm0, $0xb8;
	[tilespmem:$0x18200] =	vst v63  }
0x160: {  	s16 =	simm.s32 $0x5A00  }
0x161: {  	[tilespmem:s16], [sflag:$0x1] =	stream.indirect_vreg.gather [hbm4b:s7+s3], $0x80, v4, vm0, $0xb8;
	[tilespmem:$0x18200] =	vst v63  }
0x162: {  	s17 =	simm.s32 $0x6200  }
0x163: {  	[tilespmem:s17], [sflag:$0x1] =	stream.indirect_vreg.gather [hbm4b:s2+s3], $0x80, v3, vm0, $0xb8;
	[tilespmem:$0x18200] =	vst v63  }
0x164: {  	s18 =	simm.s32 $0x6A00  }
0x165: {  	[tilespmem:s18], [sflag:$0x1] =	stream.indirect_vreg.gather [hbm4b:s5+s3], $0x80, v3, vm0, $0xb8;
	[tilespmem:$0x18200] =	vst v63  }
0x166: {  	s19 =	simm.s32 $0x7200  }
0x167: {  	[tilespmem:s19], [sflag:$0x1] =	stream.indirect_vreg.gather [hbm4b:s6+s3], $0x80, v3, vm0, $0xb8;
	[tilespmem:$0x18200] =	vst v63  }
0x168: {  	s23 =	simm.s32 $0x7A00  }
0x169: {  	[tilespmem:s23], [sflag:$0x1] =	stream.indirect_vreg.gather [hbm4b:s7+s3], $0x80, v3, vm0, $0xb8;
	[tilespmem:$0x18200] =	vst v63  }
0x16a: {  	_ =	swait.ge [sflag:s9], $0x8000  }
0x16b: {  	[sflag:s9] =	ssyncset.done $0x0  }
0x16c: {  	s0 =	rddreg [dreg:$0x9];
	[sflag:s9] =	ssyncadd.s32 $0xFFFF8000  }
0x16d: {  	[hbm4b:s0+s3] =	stream.linear.scatter [tilespmem:s24], [sflag:$0x2], $0x8000, $0x38;
	[tilespmem:$0x18200] =	vst v63  }
0x16e: {  	_ =	swait.ge [sflag:s1], $0x8000  }
0x16f: {  	[sflag:s1] =	ssyncset.done $0x0  }
0x170: {  	[sflag:s1] =	ssyncadd.s32 $0xFFFF8000  }
0x171: {  	v3 =	vld [tilespmem:$0xE0];
	_ =	sdelay $0x4  }
0x172: {  	v46 =	vshll.u32 v3, $0x3  }
0x173: {  	v3 =	vand.u32 $0x7, v3;
	v4 =	vand.u32 $0xFFFFFFC0, v46  }
0x174: {  	v3 =	vor.u32 v3, v4  }
0x175: {  	v4 =	vperm.xlane v3, v0;
	_ =	sdelay $0x1  }
0x176: {  	v4 =	vadd.s32 v1, v4;
	_ =	sdelay $0x4  }
0x177: {  	[tilespmem:s28], [sflag:$0x1] =	stream.indirect_vreg.gather [hbm4b:s2+s3], $0x80, v4, vm0, $0xb8;
	[tilespmem:$0x18200] =	vst v63  }
0x178: {  	s0 =	simm.s32 $0x8A00;
	v3 =	vperm.xlane v3, v2  }
0x179: {  	[tilespmem:s0], [sflag:$0x1] =	stream.indirect_vreg.gather [hbm4b:s5+s3], $0x80, v4, vm0, $0xb8;
	[tilespmem:$0x18200] =	vst v63  }
0x17a: {  	v3 =	vadd.s32 v1, v3;
	s0 =	simm.s32 $0x9200  }
0x17b: {  	[tilespmem:s0], [sflag:$0x1] =	stream.indirect_vreg.gather [hbm4b:s6+s3], $0x80, v4, vm0, $0xb8;
	[tilespmem:$0x18200] =	vst v63  }
0x17c: {  	s0 =	simm.s32 $0x9A00  }
0x17d: {  	[tilespmem:s0], [sflag:$0x1] =	stream.indirect_vreg.gather [hbm4b:s7+s3], $0x80, v4, vm0, $0xb8;
	[tilespmem:$0x18200] =	vst v63  }
0x17e: {  	s0 =	simm.s32 $0xA200  }
0x17f: {  	[tilespmem:s0], [sflag:$0x1] =	stream.indirect_vreg.gather [hbm4b:s2+s3], $0x80, v3, vm0, $0xb8;
	[tilespmem:$0x18200] =	vst v63  }
0x180: {  	s0 =	simm.s32 $0xAA00  }
0x181: {  	[tilespmem:s0], [sflag:$0x1] =	stream.indirect_vreg.gather [hbm4b:s5+s3], $0x80, v3, vm0, $0xb8;
	[tilespmem:$0x18200] =	vst v63  }
0x182: {  	s0 =	simm.s32 $0xB200  }
0x183: {  	[tilespmem:s0], [sflag:$0x1] =	stream.indirect_vreg.gather [hbm4b:s6+s3], $0x80, v3, vm0, $0xb8;
	[tilespmem:$0x18200] =	vst v63  }
0x184: {  	s0 =	simm.s32 $0xBA00  }
0x185: {  	[tilespmem:s0], [sflag:$0x1] =	stream.indirect_vreg.gather [hbm4b:s7+s3], $0x80, v3, vm0, $0xb8;
	[tilespmem:$0x18200] =	vst v63  }
0x186: {  	v3 =	vld [tilespmem:$0xF0];
	_ =	sdelay $0x4  }
0x187: {  	v47 =	vshll.u32 v3, $0x3  }
0x188: {  	v3 =	vand.u32 $0x7, v3;
	v4 =	vand.u32 $0xFFFFFFC0, v47  }
0x189: {  	v3 =	vor.u32 v3, v4  }
0x18a: {  	v4 =	vperm.xlane v3, v0;
	_ =	sdelay $0x1  }
0x18b: {  	v4 =	vadd.s32 v1, v4;
	_ =	sdelay $0x3  }
0x18c: {  	s0 =	simm.s32 $0xC200  }
0x18d: {  	[tilespmem:s0], [sflag:$0x1] =	stream.indirect_vreg.gather [hbm4b:s2+s3], $0x80, v4, vm0, $0xb8;
	[tilespmem:$0x18200] =	vst v63  }
0x18e: {  	v3 =	vperm.xlane v3, v2;
	s0 =	simm.s32 $0xCA00  }
0x18f: {  	[tilespmem:s0], [sflag:$0x1] =	stream.indirect_vreg.gather [hbm4b:s5+s3], $0x80, v4, vm0, $0xb8;
	[tilespmem:$0x18200] =	vst v63  }
0x190: {  	v3 =	vadd.s32 v1, v3;
	s0 =	simm.s32 $0xD200  }
0x191: {  	[tilespmem:s0], [sflag:$0x1] =	stream.indirect_vreg.gather [hbm4b:s6+s3], $0x80, v4, vm0, $0xb8;
	[tilespmem:$0x18200] =	vst v63  }
0x192: {  	s0 =	simm.s32 $0xDA00  }
0x193: {  	[tilespmem:s0], [sflag:$0x1] =	stream.indirect_vreg.gather [hbm4b:s7+s3], $0x80, v4, vm0, $0xb8;
	[tilespmem:$0x18200] =	vst v63  }
0x194: {  	s0 =	simm.s32 $0xE200  }
0x195: {  	[tilespmem:s0], [sflag:$0x1] =	stream.indirect_vreg.gather [hbm4b:s2+s3], $0x80, v3, vm0, $0xb8;
	[tilespmem:$0x18200] =	vst v63  }
0x196: {  	s0 =	simm.s32 $0xEA00  }
0x197: {  	[tilespmem:s0], [sflag:$0x1] =	stream.indirect_vreg.gather [hbm4b:s5+s3], $0x80, v3, vm0, $0xb8;
	[tilespmem:$0x18200] =	vst v63  }
0x198: {  	s0 =	simm.s32 $0xF200  }
0x199: {  	[tilespmem:s0], [sflag:$0x1] =	stream.indirect_vreg.gather [hbm4b:s6+s3], $0x80, v3, vm0, $0xb8;
	[tilespmem:$0x18200] =	vst v63  }
0x19a: {  	s0 =	simm.s32 $0xFA00  }
0x19b: {  	[tilespmem:s0], [sflag:$0x1] =	stream.indirect_vreg.gather [hbm4b:s7+s3], $0x80, v3, vm0, $0xb8;
	[tilespmem:$0x18200] =	vst v63  }
0x19c: {  	_ =	swait.ge [sflag:s9], $0x8000  }
0x19d: {  	[sflag:s9] =	ssyncset.done $0x0  }
0x19e: {  	s0 =	rddreg [dreg:$0xa];
	[sflag:s9] =	ssyncadd.s32 $0xFFFF8000  }
0x19f: {  	[hbm4b:s0+s3] =	stream.linear.scatter [tilespmem:s10], [sflag:$0x2], $0x8000, $0x38;
	[tilespmem:$0x18200] =	vst v63  }
0x1a0: {  	_ =	swait.ge [sflag:s1], $0x8000  }
0x1a1: {  	[sflag:s1] =	ssyncset.done $0x0  }
0x1a2: {  	[sflag:s1] =	ssyncadd.s32 $0xFFFF8000  }
0x1a3: {  	v3 =	vld [tilespmem:$0x100];
	_ =	sdelay $0x4  }
0x1a4: {  	v48 =	vshll.u32 v3, $0x3  }
0x1a5: {  	v3 =	vand.u32 $0x7, v3;
	v4 =	vand.u32 $0xFFFFFFC0, v48  }
0x1a6: {  	v3 =	vor.u32 v3, v4  }
0x1a7: {  	v4 =	vperm.xlane v3, v0;
	_ =	sdelay $0x1  }
0x1a8: {  	v4 =	vadd.s32 v1, v4;
	_ =	sdelay $0x4  }
0x1a9: {  	[tilespmem:s24], [sflag:$0x1] =	stream.indirect_vreg.gather [hbm4b:s2+s3], $0x80, v4, vm0, $0xb8;
	[tilespmem:$0x18200] =	vst v63  }
0x1aa: {  	s0 =	simm.s32 $0x10A00;
	v3 =	vperm.xlane v3, v2  }
0x1ab: {  	[tilespmem:s0], [sflag:$0x1] =	stream.indirect_vreg.gather [hbm4b:s5+s3], $0x80, v4, vm0, $0xb8;
	[tilespmem:$0x18200] =	vst v63  }
0x1ac: {  	s25 =	simm.s32 $0x11200;
	v3 =	vadd.s32 v1, v3  }
0x1ad: {  	[tilespmem:s25], [sflag:$0x1] =	stream.indirect_vreg.gather [hbm4b:s6+s3], $0x80, v4, vm0, $0xb8;
	[tilespmem:$0x18200] =	vst v63  }
0x1ae: {  	s29 =	simm.s32 $0x11A00  }
0x1af: {  	[tilespmem:s29], [sflag:$0x1] =	stream.indirect_vreg.gather [hbm4b:s7+s3], $0x80, v4, vm0, $0xb8;
	[tilespmem:$0x18200] =	vst v63  }
0x1b0: {  	s30 =	simm.s32 $0x12200  }
0x1b1: {  	[tilespmem:s30], [sflag:$0x1] =	stream.indirect_vreg.gather [hbm4b:s2+s3], $0x80, v3, vm0, $0xb8;
	[tilespmem:$0x18200] =	vst v63  }
0x1b2: {  	s31 =	simm.s32 $0x12A00  }
0x1b3: {  	[tilespmem:s31], [sflag:$0x1] =	stream.indirect_vreg.gather [hbm4b:s5+s3], $0x80, v3, vm0, $0xb8;
	[tilespmem:$0x18200] =	vst v63  }
0x1b4: {  	s0 =	simm.s32 $0x13200  }
0x1b5: {  	[tilespmem:s0], [sflag:$0x1] =	stream.indirect_vreg.gather [hbm4b:s6+s3], $0x80, v3, vm0, $0xb8;
	[tilespmem:$0x18200] =	vst v63  }
0x1b6: {  	s0 =	simm.s32 $0x13A00  }
0x1b7: {  	[tilespmem:s0], [sflag:$0x1] =	stream.indirect_vreg.gather [hbm4b:s7+s3], $0x80, v3, vm0, $0xb8;
	[tilespmem:$0x18200] =	vst v63  }
0x1b8: {  	v3 =	vld [tilespmem:$0x110];
	_ =	sdelay $0x4  }
0x1b9: {  	v49 =	vshll.u32 v3, $0x3  }
0x1ba: {  	v3 =	vand.u32 $0x7, v3;
	v4 =	vand.u32 $0xFFFFFFC0, v49  }
0x1bb: {  	v3 =	vor.u32 v3, v4  }
0x1bc: {  	v4 =	vperm.xlane v3, v0;
	_ =	sdelay $0x1  }
0x1bd: {  	v4 =	vadd.s32 v1, v4;
	_ =	sdelay $0x3  }
0x1be: {  	s0 =	simm.s32 $0x14200  }
0x1bf: {  	[tilespmem:s0], [sflag:$0x1] =	stream.indirect_vreg.gather [hbm4b:s2+s3], $0x80, v4, vm0, $0xb8;
	[tilespmem:$0x18200] =	vst v63  }
0x1c0: {  	v3 =	vperm.xlane v3, v2;
	s0 =	simm.s32 $0x14A00  }
0x1c1: {  	[tilespmem:s0], [sflag:$0x1] =	stream.indirect_vreg.gather [hbm4b:s5+s3], $0x80, v4, vm0, $0xb8;
	[tilespmem:$0x18200] =	vst v63  }
0x1c2: {  	v3 =	vadd.s32 v1, v3;
	s0 =	simm.s32 $0x15200  }
0x1c3: {  	[tilespmem:s0], [sflag:$0x1] =	stream.indirect_vreg.gather [hbm4b:s6+s3], $0x80, v4, vm0, $0xb8;
	[tilespmem:$0x18200] =	vst v63  }
0x1c4: {  	s0 =	simm.s32 $0x15A00  }
0x1c5: {  	[tilespmem:s0], [sflag:$0x1] =	stream.indirect_vreg.gather [hbm4b:s7+s3], $0x80, v4, vm0, $0xb8;
	[tilespmem:$0x18200] =	vst v63  }
0x1c6: {  	s0 =	simm.s32 $0x16200  }
0x1c7: {  	[tilespmem:s0], [sflag:$0x1] =	stream.indirect_vreg.gather [hbm4b:s2+s3], $0x80, v3, vm0, $0xb8;
	[tilespmem:$0x18200] =	vst v63  }
0x1c8: {  	s0 =	simm.s32 $0x16A00  }
0x1c9: {  	[tilespmem:s0], [sflag:$0x1] =	stream.indirect_vreg.gather [hbm4b:s5+s3], $0x80, v3, vm0, $0xb8;
	[tilespmem:$0x18200] =	vst v63  }
0x1ca: {  	s0 =	simm.s32 $0x17200  }
0x1cb: {  	[tilespmem:s0], [sflag:$0x1] =	stream.indirect_vreg.gather [hbm4b:s6+s3], $0x80, v3, vm0, $0xb8;
	[tilespmem:$0x18200] =	vst v63  }
0x1cc: {  	s0 =	simm.s32 $0x17A00  }
0x1cd: {  	[tilespmem:s0], [sflag:$0x1] =	stream.indirect_vreg.gather [hbm4b:s7+s3], $0x80, v3, vm0, $0xb8;
	[tilespmem:$0x18200] =	vst v63  }
0x1ce: {  	_ =	swait.ge [sflag:s9], $0x8000  }
0x1cf: {  	[sflag:s9] =	ssyncset.done $0x0  }
0x1d0: {  	s0 =	rddreg [dreg:$0xb];
	[sflag:s9] =	ssyncadd.s32 $0xFFFF8000  }
0x1d1: {  	[hbm4b:s0+s3] =	stream.linear.scatter [tilespmem:s28], [sflag:$0x2], $0x8000, $0x38;
	[tilespmem:$0x18200] =	vst v63  }
0x1d2: {  	_ =	swait.ge [sflag:s1], $0x8000  }
0x1d3: {  	[sflag:s1] =	ssyncset.done $0x0  }
0x1d4: {  	[sflag:s1] =	ssyncadd.s32 $0xFFFF8000  }
0x1d5: {  	v3 =	vld [tilespmem:$0x120];
	_ =	sdelay $0x4  }
0x1d6: {  	v50 =	vshll.u32 v3, $0x3  }
0x1d7: {  	v3 =	vand.u32 $0x7, v3;
	v4 =	vand.u32 $0xFFFFFFC0, v50  }
0x1d8: {  	v3 =	vor.u32 v3, v4  }
0x1d9: {  	v4 =	vperm.xlane v3, v0;
	_ =	sdelay $0x1  }
0x1da: {  	v4 =	vadd.s32 v1, v4;
	_ =	sdelay $0x4  }
0x1db: {  	[tilespmem:s10], [sflag:$0x1] =	stream.indirect_vreg.gather [hbm4b:s2+s3], $0x80, v4, vm0, $0xb8;
	[tilespmem:$0x18200] =	vst v63  }
0x1dc: {  	s26 =	simm.s32 $0xA00;
	v3 =	vperm.xlane v3, v2  }
0x1dd: {  	[tilespmem:s26], [sflag:$0x1] =	stream.indirect_vreg.gather [hbm4b:s5+s3], $0x80, v4, vm0, $0xb8;
	[tilespmem:$0x18200] =	vst v63  }
0x1de: {  	s4 =	simm.s32 $0x1200;
	v3 =	vadd.s32 v1, v3  }
0x1df: {  	[tilespmem:s4], [sflag:$0x1] =	stream.indirect_vreg.gather [hbm4b:s6+s3], $0x80, v4, vm0, $0xb8;
	[tilespmem:$0x18200] =	vst v63  }
0x1e0: {  	s11 =	simm.s32 $0x1A00  }
0x1e1: {  	[tilespmem:s11], [sflag:$0x1] =	stream.indirect_vreg.gather [hbm4b:s7+s3], $0x80, v4, vm0, $0xb8;
	[tilespmem:$0x18200] =	vst v63  }
0x1e2: {  	s12 =	simm.s32 $0x2200  }
0x1e3: {  	[tilespmem:s12], [sflag:$0x1] =	stream.indirect_vreg.gather [hbm4b:s2+s3], $0x80, v3, vm0, $0xb8;
	[tilespmem:$0x18200] =	vst v63  }
0x1e4: {  	s13 =	simm.s32 $0x2A00  }
0x1e5: {  	[tilespmem:s13], [sflag:$0x1] =	stream.indirect_vreg.gather [hbm4b:s5+s3], $0x80, v3, vm0, $0xb8;
	[tilespmem:$0x18200] =	vst v63  }
0x1e6: {  	s14 =	simm.s32 $0x3200  }
0x1e7: {  	[tilespmem:s14], [sflag:$0x1] =	stream.indirect_vreg.gather [hbm4b:s6+s3], $0x80, v3, vm0, $0xb8;
	[tilespmem:$0x18200] =	vst v63  }
0x1e8: {  	s20 =	simm.s32 $0x3A00  }
0x1e9: {  	[tilespmem:s20], [sflag:$0x1] =	stream.indirect_vreg.gather [hbm4b:s7+s3], $0x80, v3, vm0, $0xb8;
	[tilespmem:$0x18200] =	vst v63  }
0x1ea: {  	v3 =	vld [tilespmem:$0x130];
	_ =	sdelay $0x4  }
0x1eb: {  	v51 =	vshll.u32 v3, $0x3  }
0x1ec: {  	v3 =	vand.u32 $0x7, v3;
	v4 =	vand.u32 $0xFFFFFFC0, v51  }
0x1ed: {  	v3 =	vor.u32 v3, v4  }
0x1ee: {  	v4 =	vperm.xlane v3, v0;
	_ =	sdelay $0x1  }
0x1ef: {  	v4 =	vadd.s32 v1, v4;
	_ =	sdelay $0x3  }
0x1f0: {  	s21 =	simm.s32 $0x4200  }
0x1f1: {  	[tilespmem:s21], [sflag:$0x1] =	stream.indirect_vreg.gather [hbm4b:s2+s3], $0x80, v4, vm0, $0xb8;
	[tilespmem:$0x18200] =	vst v63  }
0x1f2: {  	s22 =	simm.s32 $0x4A00;
	v3 =	vperm.xlane v3, v2  }
0x1f3: {  	[tilespmem:s22], [sflag:$0x1] =	stream.indirect_vreg.gather [hbm4b:s5+s3], $0x80, v4, vm0, $0xb8;
	[tilespmem:$0x18200] =	vst v63  }
0x1f4: {  	s15 =	simm.s32 $0x5200;
	v3 =	vadd.s32 v1, v3  }
0x1f5: {  	[tilespmem:s15], [sflag:$0x1] =	stream.indirect_vreg.gather [hbm4b:s6+s3], $0x80, v4, vm0, $0xb8;
	[tilespmem:$0x18200] =	vst v63  }
0x1f6: {  	s16 =	simm.s32 $0x5A00  }
0x1f7: {  	[tilespmem:s16], [sflag:$0x1] =	stream.indirect_vreg.gather [hbm4b:s7+s3], $0x80, v4, vm0, $0xb8;
	[tilespmem:$0x18200] =	vst v63  }
0x1f8: {  	s17 =	simm.s32 $0x6200  }
0x1f9: {  	[tilespmem:s17], [sflag:$0x1] =	stream.indirect_vreg.gather [hbm4b:s2+s3], $0x80, v3, vm0, $0xb8;
	[tilespmem:$0x18200] =	vst v63  }
0x1fa: {  	s18 =	simm.s32 $0x6A00  }
0x1fb: {  	[tilespmem:s18], [sflag:$0x1] =	stream.indirect_vreg.gather [hbm4b:s5+s3], $0x80, v3, vm0, $0xb8;
	[tilespmem:$0x18200] =	vst v63  }
0x1fc: {  	s19 =	simm.s32 $0x7200  }
0x1fd: {  	[tilespmem:s19], [sflag:$0x1] =	stream.indirect_vreg.gather [hbm4b:s6+s3], $0x80, v3, vm0, $0xb8;
	[tilespmem:$0x18200] =	vst v63  }
0x1fe: {  	s23 =	simm.s32 $0x7A00  }
0x1ff: {  	[tilespmem:s23], [sflag:$0x1] =	stream.indirect_vreg.gather [hbm4b:s7+s3], $0x80, v3, vm0, $0xb8;
	[tilespmem:$0x18200] =	vst v63  }
0x200: {  	_ =	swait.ge [sflag:s9], $0x8000  }
0x201: {  	[sflag:s9] =	ssyncset.done $0x0  }
0x202: {  	s16 =	rddreg [dreg:$0xc];
	[sflag:s9] =	ssyncadd.s32 $0xFFFF8000  }
0x203: {  	[hbm4b:s16+s3] =	stream.linear.scatter [tilespmem:s24], [sflag:$0x2], $0x8000, $0x38;
	[tilespmem:$0x18200] =	vst v63  }
0x204: {  	_ =	swait.ge [sflag:s1], $0x8000  }
0x205: {  	[sflag:s1] =	ssyncset.done $0x0  }
0x206: {  	[sflag:s1] =	ssyncadd.s32 $0xFFFF8000  }
0x207: {  	v3 =	vld [tilespmem:$0x140];
	_ =	sdelay $0x4  }
0x208: {  	v52 =	vshll.u32 v3, $0x3  }
0x209: {  	v3 =	vand.u32 $0x7, v3;
	v4 =	vand.u32 $0xFFFFFFC0, v52  }
0x20a: {  	v3 =	vor.u32 v3, v4  }
0x20b: {  	v4 =	vperm.xlane v3, v0;
	_ =	sdelay $0x1  }
0x20c: {  	v4 =	vadd.s32 v1, v4;
	_ =	sdelay $0x4  }
0x20d: {  	[tilespmem:s28], [sflag:$0x1] =	stream.indirect_vreg.gather [hbm4b:s2+s3], $0x80, v4, vm0, $0xb8;
	[tilespmem:$0x18200] =	vst v63  }
0x20e: {  	s17 =	simm.s32 $0x8A00;
	v3 =	vperm.xlane v3, v2  }
0x20f: {  	[tilespmem:s17], [sflag:$0x1] =	stream.indirect_vreg.gather [hbm4b:s5+s3], $0x80, v4, vm0, $0xb8;
	[tilespmem:$0x18200] =	vst v63  }
0x210: {  	s18 =	simm.s32 $0x9200;
	v3 =	vadd.s32 v1, v3  }
0x211: {  	[tilespmem:s18], [sflag:$0x1] =	stream.indirect_vreg.gather [hbm4b:s6+s3], $0x80, v4, vm0, $0xb8;
	[tilespmem:$0x18200] =	vst v63  }
0x212: {  	s19 =	simm.s32 $0x9A00  }
0x213: {  	[tilespmem:s19], [sflag:$0x1] =	stream.indirect_vreg.gather [hbm4b:s7+s3], $0x80, v4, vm0, $0xb8;
	[tilespmem:$0x18200] =	vst v63  }
0x214: {  	s22 =	simm.s32 $0xA200  }
0x215: {  	[tilespmem:s22], [sflag:$0x1] =	stream.indirect_vreg.gather [hbm4b:s2+s3], $0x80, v3, vm0, $0xb8;
	[tilespmem:$0x18200] =	vst v63  }
0x216: {  	s23 =	simm.s32 $0xAA00  }
0x217: {  	[tilespmem:s23], [sflag:$0x1] =	stream.indirect_vreg.gather [hbm4b:s5+s3], $0x80, v3, vm0, $0xb8;
	[tilespmem:$0x18200] =	vst v63  }
0x218: {  	s4 =	simm.s32 $0xB200  }
0x219: {  	[tilespmem:s4], [sflag:$0x1] =	stream.indirect_vreg.gather [hbm4b:s6+s3], $0x80, v3, vm0, $0xb8;
	[tilespmem:$0x18200] =	vst v63  }
0x21a: {  	s11 =	simm.s32 $0xBA00  }
0x21b: {  	[tilespmem:s11], [sflag:$0x1] =	stream.indirect_vreg.gather [hbm4b:s7+s3], $0x80, v3, vm0, $0xb8;
	[tilespmem:$0x18200] =	vst v63  }
0x21c: {  	v3 =	vld [tilespmem:$0x150];
	_ =	sdelay $0x4  }
0x21d: {  	v53 =	vshll.u32 v3, $0x3  }
0x21e: {  	v3 =	vand.u32 $0x7, v3;
	v4 =	vand.u32 $0xFFFFFFC0, v53  }
0x21f: {  	v3 =	vor.u32 v3, v4  }
0x220: {  	v4 =	vperm.xlane v3, v0;
	_ =	sdelay $0x1  }
0x221: {  	v4 =	vadd.s32 v1, v4;
	_ =	sdelay $0x3  }
0x222: {  	s12 =	simm.s32 $0xC200  }
0x223: {  	[tilespmem:s12], [sflag:$0x1] =	stream.indirect_vreg.gather [hbm4b:s2+s3], $0x80, v4, vm0, $0xb8;
	[tilespmem:$0x18200] =	vst v63  }
0x224: {  	s13 =	simm.s32 $0xCA00;
	v3 =	vperm.xlane v3, v2  }
0x225: {  	[tilespmem:s13], [sflag:$0x1] =	stream.indirect_vreg.gather [hbm4b:s5+s3], $0x80, v4, vm0, $0xb8;
	[tilespmem:$0x18200] =	vst v63  }
0x226: {  	s14 =	simm.s32 $0xD200;
	v3 =	vadd.s32 v1, v3  }
0x227: {  	[tilespmem:s14], [sflag:$0x1] =	stream.indirect_vreg.gather [hbm4b:s6+s3], $0x80, v4, vm0, $0xb8;
	[tilespmem:$0x18200] =	vst v63  }
0x228: {  	s15 =	simm.s32 $0xDA00  }
0x229: {  	[tilespmem:s15], [sflag:$0x1] =	stream.indirect_vreg.gather [hbm4b:s7+s3], $0x80, v4, vm0, $0xb8;
	[tilespmem:$0x18200] =	vst v63  }
0x22a: {  	s16 =	simm.s32 $0xE200  }
0x22b: {  	[tilespmem:s16], [sflag:$0x1] =	stream.indirect_vreg.gather [hbm4b:s2+s3], $0x80, v3, vm0, $0xb8;
	[tilespmem:$0x18200] =	vst v63  }
0x22c: {  	s17 =	simm.s32 $0xEA00  }
0x22d: {  	[tilespmem:s17], [sflag:$0x1] =	stream.indirect_vreg.gather [hbm4b:s5+s3], $0x80, v3, vm0, $0xb8;
	[tilespmem:$0x18200] =	vst v63  }
0x22e: {  	s18 =	simm.s32 $0xF200  }
0x22f: {  	[tilespmem:s18], [sflag:$0x1] =	stream.indirect_vreg.gather [hbm4b:s6+s3], $0x80, v3, vm0, $0xb8;
	[tilespmem:$0x18200] =	vst v63  }
0x230: {  	s19 =	simm.s32 $0xFA00  }
0x231: {  	[tilespmem:s19], [sflag:$0x1] =	stream.indirect_vreg.gather [hbm4b:s7+s3], $0x80, v3, vm0, $0xb8;
	[tilespmem:$0x18200] =	vst v63  }
0x232: {  	_ =	swait.ge [sflag:s9], $0x8000  }
0x233: {  	[sflag:s9] =	ssyncset.done $0x0  }
0x234: {  	s22 =	rddreg [dreg:$0xd];
	[sflag:s9] =	ssyncadd.s32 $0xFFFF8000  }
0x235: {  	[hbm4b:s22+s3] =	stream.linear.scatter [tilespmem:s10], [sflag:$0x2], $0x8000, $0x38;
	[tilespmem:$0x18200] =	vst v63  }
0x236: {  	_ =	swait.ge [sflag:s1], $0x8000  }
0x237: {  	[sflag:s1] =	ssyncset.done $0x0  }
0x238: {  	[sflag:s1] =	ssyncadd.s32 $0xFFFF8000  }
0x239: {  	v3 =	vld [tilespmem:$0x160];
	_ =	sdelay $0x4  }
0x23a: {  	v54 =	vshll.u32 v3, $0x3  }
0x23b: {  	v3 =	vand.u32 $0x7, v3;
	v4 =	vand.u32 $0xFFFFFFC0, v54  }
0x23c: {  	v3 =	vor.u32 v3, v4  }
0x23d: {  	v4 =	vperm.xlane v3, v0;
	_ =	sdelay $0x1  }
0x23e: {  	v4 =	vadd.s32 v1, v4;
	_ =	sdelay $0x4  }
0x23f: {  	[tilespmem:s24], [sflag:$0x1] =	stream.indirect_vreg.gather [hbm4b:s2+s3], $0x80, v4, vm0, $0xb8;
	[tilespmem:$0x18200] =	vst v63  }
0x240: {  	s23 =	simm.s32 $0x10A00;
	v3 =	vperm.xlane v3, v2  }
0x241: {  	[tilespmem:s23], [sflag:$0x1] =	stream.indirect_vreg.gather [hbm4b:s5+s3], $0x80, v4, vm0, $0xb8;
	[tilespmem:$0x18200] =	vst v63  }
0x242: {  	s25 =	simm.s32 $0x11200;
	v3 =	vadd.s32 v1, v3  }
0x243: {  	[tilespmem:s25], [sflag:$0x1] =	stream.indirect_vreg.gather [hbm4b:s6+s3], $0x80, v4, vm0, $0xb8;
	[tilespmem:$0x18200] =	vst v63  }
0x244: {  	s29 =	simm.s32 $0x11A00  }
0x245: {  	[tilespmem:s29], [sflag:$0x1] =	stream.indirect_vreg.gather [hbm4b:s7+s3], $0x80, v4, vm0, $0xb8;
	[tilespmem:$0x18200] =	vst v63  }
0x246: {  	s30 =	simm.s32 $0x12200  }
0x247: {  	[tilespmem:s30], [sflag:$0x1] =	stream.indirect_vreg.gather [hbm4b:s2+s3], $0x80, v3, vm0, $0xb8;
	[tilespmem:$0x18200] =	vst v63  }
0x248: {  	s31 =	simm.s32 $0x12A00  }
0x249: {  	[tilespmem:s31], [sflag:$0x1] =	stream.indirect_vreg.gather [hbm4b:s5+s3], $0x80, v3, vm0, $0xb8;
	[tilespmem:$0x18200] =	vst v63  }
0x24a: {  	s31 =	simm.s32 $0x13200  }
0x24b: {  	[tilespmem:s31], [sflag:$0x1] =	stream.indirect_vreg.gather [hbm4b:s6+s3], $0x80, v3, vm0, $0xb8;
	[tilespmem:$0x18200] =	vst v63  }
0x24c: {  	s4 =	simm.s32 $0x13A00  }
0x24d: {  	[tilespmem:s4], [sflag:$0x1] =	stream.indirect_vreg.gather [hbm4b:s7+s3], $0x80, v3, vm0, $0xb8;
	[tilespmem:$0x18200] =	vst v63  }
0x24e: {  	v3 =	vld [tilespmem:$0x170];
	_ =	sdelay $0x4  }
0x24f: {  	v55 =	vshll.u32 v3, $0x3  }
0x250: {  	v3 =	vand.u32 $0x7, v3;
	v4 =	vand.u32 $0xFFFFFFC0, v55  }
0x251: {  	v3 =	vor.u32 v3, v4  }
0x252: {  	v4 =	vperm.xlane v3, v0;
	_ =	sdelay $0x1  }
0x253: {  	v4 =	vadd.s32 v1, v4;
	_ =	sdelay $0x3  }
0x254: {  	s11 =	simm.s32 $0x14200  }
0x255: {  	[tilespmem:s11], [sflag:$0x1] =	stream.indirect_vreg.gather [hbm4b:s2+s3], $0x80, v4, vm0, $0xb8;
	[tilespmem:$0x18200] =	vst v63  }
0x256: {  	s12 =	simm.s32 $0x14A00;
	v3 =	vperm.xlane v3, v2  }
0x257: {  	[tilespmem:s12], [sflag:$0x1] =	stream.indirect_vreg.gather [hbm4b:s5+s3], $0x80, v4, vm0, $0xb8;
	[tilespmem:$0x18200] =	vst v63  }
0x258: {  	s13 =	simm.s32 $0x15200;
	v3 =	vadd.s32 v1, v3  }
0x259: {  	[tilespmem:s13], [sflag:$0x1] =	stream.indirect_vreg.gather [hbm4b:s6+s3], $0x80, v4, vm0, $0xb8;
	[tilespmem:$0x18200] =	vst v63  }
0x25a: {  	s14 =	simm.s32 $0x15A00  }
0x25b: {  	[tilespmem:s14], [sflag:$0x1] =	stream.indirect_vreg.gather [hbm4b:s7+s3], $0x80, v4, vm0, $0xb8;
	[tilespmem:$0x18200] =	vst v63  }
0x25c: {  	s15 =	simm.s32 $0x16200  }
0x25d: {  	[tilespmem:s15], [sflag:$0x1] =	stream.indirect_vreg.gather [hbm4b:s2+s3], $0x80, v3, vm0, $0xb8;
	[tilespmem:$0x18200] =	vst v63  }
0x25e: {  	s16 =	simm.s32 $0x16A00  }
0x25f: {  	[tilespmem:s16], [sflag:$0x1] =	stream.indirect_vreg.gather [hbm4b:s5+s3], $0x80, v3, vm0, $0xb8;
	[tilespmem:$0x18200] =	vst v63  }
0x260: {  	s17 =	simm.s32 $0x17200  }
0x261: {  	[tilespmem:s17], [sflag:$0x1] =	stream.indirect_vreg.gather [hbm4b:s6+s3], $0x80, v3, vm0, $0xb8;
	[tilespmem:$0x18200] =	vst v63  }
0x262: {  	s18 =	simm.s32 $0x17A00  }
0x263: {  	[tilespmem:s18], [sflag:$0x1] =	stream.indirect_vreg.gather [hbm4b:s7+s3], $0x80, v3, vm0, $0xb8;
	[tilespmem:$0x18200] =	vst v63  }
0x264: {  	_ =	swait.ge [sflag:s9], $0x8000  }
0x265: {  	[sflag:s9] =	ssyncset.done $0x0  }
0x266: {  	s19 =	rddreg [dreg:$0xe];
	[sflag:s9] =	ssyncadd.s32 $0xFFFF8000  }
0x267: {  	[hbm4b:s19+s3] =	stream.linear.scatter [tilespmem:s28], [sflag:$0x2], $0x8000, $0x38;
	[tilespmem:$0x18200] =	vst v63  }
0x268: {  	_ =	swait.ge [sflag:s1], $0x8000  }
0x269: {  	[sflag:s1] =	ssyncset.done $0x0  }
0x26a: {  	[sflag:s1] =	ssyncadd.s32 $0xFFFF8000  }
0x26b: {  	v3 =	vld [tilespmem:$0x180];
	_ =	sdelay $0x4  }
0x26c: {  	v56 =	vshll.u32 v3, $0x3  }
0x26d: {  	v3 =	vand.u32 $0x7, v3;
	v4 =	vand.u32 $0xFFFFFFC0, v56  }
0x26e: {  	v3 =	vor.u32 v3, v4  }
0x26f: {  	v4 =	vperm.xlane v3, v0;
	_ =	sdelay $0x1  }
0x270: {  	v4 =	vadd.s32 v1, v4;
	_ =	sdelay $0x4  }
0x271: {  	[tilespmem:s10], [sflag:$0x1] =	stream.indirect_vreg.gather [hbm4b:s2+s3], $0x80, v4, vm0, $0xb8;
	[tilespmem:$0x18200] =	vst v63  }
0x272: {  	s14 =	simm.s32 $0xA00;
	v3 =	vperm.xlane v3, v2  }
0x273: {  	[tilespmem:s14], [sflag:$0x1] =	stream.indirect_vreg.gather [hbm4b:s5+s3], $0x80, v4, vm0, $0xb8;
	[tilespmem:$0x18200] =	vst v63  }
0x274: {  	s26 =	simm.s32 $0x1200;
	v3 =	vadd.s32 v1, v3  }
0x275: {  	[tilespmem:s26], [sflag:$0x1] =	stream.indirect_vreg.gather [hbm4b:s6+s3], $0x80, v4, vm0, $0xb8;
	[tilespmem:$0x18200] =	vst v63  }
0x276: {  	s15 =	simm.s32 $0x1A00  }
0x277: {  	[tilespmem:s15], [sflag:$0x1] =	stream.indirect_vreg.gather [hbm4b:s7+s3], $0x80, v4, vm0, $0xb8;
	[tilespmem:$0x18200] =	vst v63  }
0x278: {  	s16 =	simm.s32 $0x2200  }
0x279: {  	[tilespmem:s16], [sflag:$0x1] =	stream.indirect_vreg.gather [hbm4b:s2+s3], $0x80, v3, vm0, $0xb8;
	[tilespmem:$0x18200] =	vst v63  }
0x27a: {  	s17 =	simm.s32 $0x2A00  }
0x27b: {  	[tilespmem:s17], [sflag:$0x1] =	stream.indirect_vreg.gather [hbm4b:s5+s3], $0x80, v3, vm0, $0xb8;
	[tilespmem:$0x18200] =	vst v63  }
0x27c: {  	s18 =	simm.s32 $0x3200  }
0x27d: {  	[tilespmem:s18], [sflag:$0x1] =	stream.indirect_vreg.gather [hbm4b:s6+s3], $0x80, v3, vm0, $0xb8;
	[tilespmem:$0x18200] =	vst v63  }
0x27e: {  	s19 =	simm.s32 $0x3A00  }
0x27f: {  	[tilespmem:s19], [sflag:$0x1] =	stream.indirect_vreg.gather [hbm4b:s7+s3], $0x80, v3, vm0, $0xb8;
	[tilespmem:$0x18200] =	vst v63  }
0x280: {  	v3 =	vld [tilespmem:$0x190];
	_ =	sdelay $0x4  }
0x281: {  	v57 =	vshll.u32 v3, $0x3  }
0x282: {  	v3 =	vand.u32 $0x7, v3;
	v4 =	vand.u32 $0xFFFFFFC0, v57  }
0x283: {  	v3 =	vor.u32 v3, v4  }
0x284: {  	v4 =	vperm.xlane v3, v0;
	_ =	sdelay $0x1  }
0x285: {  	v4 =	vadd.s32 v1, v4;
	_ =	sdelay $0x3  }
0x286: {  	s18 =	simm.s32 $0x4200  }
0x287: {  	[tilespmem:s18], [sflag:$0x1] =	stream.indirect_vreg.gather [hbm4b:s2+s3], $0x80, v4, vm0, $0xb8;
	[tilespmem:$0x18200] =	vst v63  }
0x288: {  	s19 =	simm.s32 $0x4A00;
	v3 =	vperm.xlane v3, v2  }
0x289: {  	[tilespmem:s19], [sflag:$0x1] =	stream.indirect_vreg.gather [hbm4b:s5+s3], $0x80, v4, vm0, $0xb8;
	[tilespmem:$0x18200] =	vst v63  }
0x28a: {  	s20 =	simm.s32 $0x5200;
	v3 =	vadd.s32 v1, v3  }
0x28b: {  	[tilespmem:s20], [sflag:$0x1] =	stream.indirect_vreg.gather [hbm4b:s6+s3], $0x80, v4, vm0, $0xb8;
	[tilespmem:$0x18200] =	vst v63  }
0x28c: {  	s21 =	simm.s32 $0x5A00  }
0x28d: {  	[tilespmem:s21], [sflag:$0x1] =	stream.indirect_vreg.gather [hbm4b:s7+s3], $0x80, v4, vm0, $0xb8;
	[tilespmem:$0x18200] =	vst v63  }
0x28e: {  	s21 =	simm.s32 $0x6200  }
0x28f: {  	[tilespmem:s21], [sflag:$0x1] =	stream.indirect_vreg.gather [hbm4b:s2+s3], $0x80, v3, vm0, $0xb8;
	[tilespmem:$0x18200] =	vst v63  }
0x290: {  	s19 =	simm.s32 $0x6A00  }
0x291: {  	[tilespmem:s19], [sflag:$0x1] =	stream.indirect_vreg.gather [hbm4b:s5+s3], $0x80, v3, vm0, $0xb8;
	[tilespmem:$0x18200] =	vst v63  }
0x292: {  	s0 =	simm.s32 $0x7200  }
0x293: {  	[tilespmem:s0], [sflag:$0x1] =	stream.indirect_vreg.gather [hbm4b:s6+s3], $0x80, v3, vm0, $0xb8;
	[tilespmem:$0x18200] =	vst v63  }
0x294: {  	s0 =	simm.s32 $0x7A00  }
0x295: {  	[tilespmem:s0], [sflag:$0x1] =	stream.indirect_vreg.gather [hbm4b:s7+s3], $0x80, v3, vm0, $0xb8;
	[tilespmem:$0x18200] =	vst v63  }
0x296: {  	_ =	swait.ge [sflag:s9], $0x8000  }
0x297: {  	[sflag:s9] =	ssyncset.done $0x0  }
0x298: {  	s0 =	rddreg [dreg:$0xf];
	[sflag:s9] =	ssyncadd.s32 $0xFFFF8000  }
0x299: {  	[hbm4b:s0+s3] =	stream.linear.scatter [tilespmem:s24], [sflag:$0x2], $0x8000, $0x38;
	[tilespmem:$0x18200] =	vst v63  }
0x29a: {  	_ =	swait.ge [sflag:s1], $0x8000  }
0x29b: {  	[sflag:s1] =	ssyncset.done $0x0  }
0x29c: {  	[sflag:s1] =	ssyncadd.s32 $0xFFFF8000  }
0x29d: {  	v3 =	vld [tilespmem:$0x1A0];
	_ =	sdelay $0x4  }
0x29e: {  	v58 =	vshll.u32 v3, $0x3  }
0x29f: {  	v3 =	vand.u32 $0x7, v3;
	v4 =	vand.u32 $0xFFFFFFC0, v58  }
0x2a0: {  	v3 =	vor.u32 v3, v4  }
0x2a1: {  	v4 =	vperm.xlane v3, v0;
	_ =	sdelay $0x1  }
0x2a2: {  	v4 =	vadd.s32 v1, v4;
	_ =	sdelay $0x4  }
0x2a3: {  	[tilespmem:s28], [sflag:$0x1] =	stream.indirect_vreg.gather [hbm4b:s2+s3], $0x80, v4, vm0, $0xb8;
	[tilespmem:$0x18200] =	vst v63  }
0x2a4: {  	s0 =	simm.s32 $0x8A00;
	v3 =	vperm.xlane v3, v2  }
0x2a5: {  	[tilespmem:s0], [sflag:$0x1] =	stream.indirect_vreg.gather [hbm4b:s5+s3], $0x80, v4, vm0, $0xb8;
	[tilespmem:$0x18200] =	vst v63  }
0x2a6: {  	v3 =	vadd.s32 v1, v3;
	s0 =	simm.s32 $0x9200  }
0x2a7: {  	[tilespmem:s0], [sflag:$0x1] =	stream.indirect_vreg.gather [hbm4b:s6+s3], $0x80, v4, vm0, $0xb8;
	[tilespmem:$0x18200] =	vst v63  }
0x2a8: {  	s0 =	simm.s32 $0x9A00  }
0x2a9: {  	[tilespmem:s0], [sflag:$0x1] =	stream.indirect_vreg.gather [hbm4b:s7+s3], $0x80, v4, vm0, $0xb8;
	[tilespmem:$0x18200] =	vst v63  }
0x2aa: {  	s0 =	simm.s32 $0xA200  }
0x2ab: {  	[tilespmem:s0], [sflag:$0x1] =	stream.indirect_vreg.gather [hbm4b:s2+s3], $0x80, v3, vm0, $0xb8;
	[tilespmem:$0x18200] =	vst v63  }
0x2ac: {  	s0 =	simm.s32 $0xAA00  }
0x2ad: {  	[tilespmem:s0], [sflag:$0x1] =	stream.indirect_vreg.gather [hbm4b:s5+s3], $0x80, v3, vm0, $0xb8;
	[tilespmem:$0x18200] =	vst v63  }
0x2ae: {  	s0 =	simm.s32 $0xB200  }
0x2af: {  	[tilespmem:s0], [sflag:$0x1] =	stream.indirect_vreg.gather [hbm4b:s6+s3], $0x80, v3, vm0, $0xb8;
	[tilespmem:$0x18200] =	vst v63  }
0x2b0: {  	s0 =	simm.s32 $0xBA00  }
0x2b1: {  	[tilespmem:s0], [sflag:$0x1] =	stream.indirect_vreg.gather [hbm4b:s7+s3], $0x80, v3, vm0, $0xb8;
	[tilespmem:$0x18200] =	vst v63  }
0x2b2: {  	v3 =	vld [tilespmem:$0x1B0];
	_ =	sdelay $0x4  }
0x2b3: {  	v59 =	vshll.u32 v3, $0x3  }
0x2b4: {  	v3 =	vand.u32 $0x7, v3;
	v4 =	vand.u32 $0xFFFFFFC0, v59  }
0x2b5: {  	v3 =	vor.u32 v3, v4  }
0x2b6: {  	v4 =	vperm.xlane v3, v0;
	_ =	sdelay $0x1  }
0x2b7: {  	v4 =	vadd.s32 v1, v4;
	_ =	sdelay $0x3  }
0x2b8: {  	s0 =	simm.s32 $0xC200  }
0x2b9: {  	[tilespmem:s0], [sflag:$0x1] =	stream.indirect_vreg.gather [hbm4b:s2+s3], $0x80, v4, vm0, $0xb8;
	[tilespmem:$0x18200] =	vst v63  }
0x2ba: {  	v3 =	vperm.xlane v3, v2;
	s0 =	simm.s32 $0xCA00  }
0x2bb: {  	[tilespmem:s0], [sflag:$0x1] =	stream.indirect_vreg.gather [hbm4b:s5+s3], $0x80, v4, vm0, $0xb8;
	[tilespmem:$0x18200] =	vst v63  }
0x2bc: {  	v3 =	vadd.s32 v1, v3;
	s0 =	simm.s32 $0xD200  }
0x2bd: {  	[tilespmem:s0], [sflag:$0x1] =	stream.indirect_vreg.gather [hbm4b:s6+s3], $0x80, v4, vm0, $0xb8;
	[tilespmem:$0x18200] =	vst v63  }
0x2be: {  	s0 =	simm.s32 $0xDA00  }
0x2bf: {  	[tilespmem:s0], [sflag:$0x1] =	stream.indirect_vreg.gather [hbm4b:s7+s3], $0x80, v4, vm0, $0xb8;
	[tilespmem:$0x18200] =	vst v63  }
0x2c0: {  	s0 =	simm.s32 $0xE200  }
0x2c1: {  	[tilespmem:s0], [sflag:$0x1] =	stream.indirect_vreg.gather [hbm4b:s2+s3], $0x80, v3, vm0, $0xb8;
	[tilespmem:$0x18200] =	vst v63  }
0x2c2: {  	s0 =	simm.s32 $0xEA00  }
0x2c3: {  	[tilespmem:s0], [sflag:$0x1] =	stream.indirect_vreg.gather [hbm4b:s5+s3], $0x80, v3, vm0, $0xb8;
	[tilespmem:$0x18200] =	vst v63  }
0x2c4: {  	s0 =	simm.s32 $0xF200  }
0x2c5: {  	[tilespmem:s0], [sflag:$0x1] =	stream.indirect_vreg.gather [hbm4b:s6+s3], $0x80, v3, vm0, $0xb8;
	[tilespmem:$0x18200] =	vst v63  }
0x2c6: {  	s0 =	simm.s32 $0xFA00  }
0x2c7: {  	[tilespmem:s0], [sflag:$0x1] =	stream.indirect_vreg.gather [hbm4b:s7+s3], $0x80, v3, vm0, $0xb8;
	[tilespmem:$0x18200] =	vst v63  }
0x2c8: {  	_ =	swait.ge [sflag:s9], $0x8000  }
0x2c9: {  	[sflag:s9] =	ssyncset.done $0x0  }
0x2ca: {  	s0 =	rddreg [dreg:$0x10];
	[sflag:s9] =	ssyncadd.s32 $0xFFFF8000  }
0x2cb: {  	[hbm4b:s0+s3] =	stream.linear.scatter [tilespmem:s10], [sflag:$0x2], $0x8000, $0x38;
	[tilespmem:$0x18200] =	vst v63  }
0x2cc: {  	_ =	swait.ge [sflag:s1], $0x8000  }
0x2cd: {  	[sflag:s1] =	ssyncset.done $0x0  }
0x2ce: {  	[sflag:s1] =	ssyncadd.s32 $0xFFFF8000  }
0x2cf: {  	v3 =	vld [tilespmem:$0x1C0];
	_ =	sdelay $0x4  }
0x2d0: {  	v60 =	vshll.u32 v3, $0x3  }
0x2d1: {  	v3 =	vand.u32 $0x7, v3;
	v4 =	vand.u32 $0xFFFFFFC0, v60  }
0x2d2: {  	v3 =	vor.u32 v3, v4  }
0x2d3: {  	v4 =	vperm.xlane v3, v0;
	_ =	sdelay $0x1  }
0x2d4: {  	v4 =	vadd.s32 v1, v4;
	_ =	sdelay $0x4  }
0x2d5: {  	[tilespmem:s24], [sflag:$0x1] =	stream.indirect_vreg.gather [hbm4b:s2+s3], $0x80, v4, vm0, $0xb8;
	[tilespmem:$0x18200] =	vst v63  }
0x2d6: {  	s0 =	simm.s32 $0x10A00;
	v3 =	vperm.xlane v3, v2  }
0x2d7: {  	[tilespmem:s0], [sflag:$0x1] =	stream.indirect_vreg.gather [hbm4b:s5+s3], $0x80, v4, vm0, $0xb8;
	[tilespmem:$0x18200] =	vst v63  }
0x2d8: {  	s22 =	simm.s32 $0x11200;
	v3 =	vadd.s32 v1, v3  }
0x2d9: {  	[tilespmem:s22], [sflag:$0x1] =	stream.indirect_vreg.gather [hbm4b:s6+s3], $0x80, v4, vm0, $0xb8;
	[tilespmem:$0x18200] =	vst v63  }
0x2da: {  	s23 =	simm.s32 $0x11A00  }
0x2db: {  	[tilespmem:s23], [sflag:$0x1] =	stream.indirect_vreg.gather [hbm4b:s7+s3], $0x80, v4, vm0, $0xb8;
	[tilespmem:$0x18200] =	vst v63  }
0x2dc: {  	s25 =	simm.s32 $0x12200  }
0x2dd: {  	[tilespmem:s25], [sflag:$0x1] =	stream.indirect_vreg.gather [hbm4b:s2+s3], $0x80, v3, vm0, $0xb8;
	[tilespmem:$0x18200] =	vst v63  }
0x2de: {  	s29 =	simm.s32 $0x12A00  }
0x2df: {  	[tilespmem:s29], [sflag:$0x1] =	stream.indirect_vreg.gather [hbm4b:s5+s3], $0x80, v3, vm0, $0xb8;
	[tilespmem:$0x18200] =	vst v63  }
0x2e0: {  	s30 =	simm.s32 $0x13200  }
0x2e1: {  	[tilespmem:s30], [sflag:$0x1] =	stream.indirect_vreg.gather [hbm4b:s6+s3], $0x80, v3, vm0, $0xb8;
	[tilespmem:$0x18200] =	vst v63  }
0x2e2: {  	s25 =	simm.s32 $0x13A00  }
0x2e3: {  	[tilespmem:s25], [sflag:$0x1] =	stream.indirect_vreg.gather [hbm4b:s7+s3], $0x80, v3, vm0, $0xb8;
	[tilespmem:$0x18200] =	vst v63  }
0x2e4: {  	v3 =	vld [tilespmem:$0x1D0];
	_ =	sdelay $0x4  }
0x2e5: {  	v61 =	vshll.u32 v3, $0x3  }
0x2e6: {  	v3 =	vand.u32 $0x7, v3;
	v4 =	vand.u32 $0xFFFFFFC0, v61  }
0x2e7: {  	v3 =	vor.u32 v3, v4  }
0x2e8: {  	v4 =	vperm.xlane v3, v0;
	_ =	sdelay $0x1  }
0x2e9: {  	v4 =	vadd.s32 v1, v4;
	_ =	sdelay $0x3  }
0x2ea: {  	s29 =	simm.s32 $0x14200  }
0x2eb: {  	[tilespmem:s29], [sflag:$0x1] =	stream.indirect_vreg.gather [hbm4b:s2+s3], $0x80, v4, vm0, $0xb8;
	[tilespmem:$0x18200] =	vst v63  }
0x2ec: {  	s30 =	simm.s32 $0x14A00;
	v3 =	vperm.xlane v3, v2  }
0x2ed: {  	[tilespmem:s30], [sflag:$0x1] =	stream.indirect_vreg.gather [hbm4b:s5+s3], $0x80, v4, vm0, $0xb8;
	[tilespmem:$0x18200] =	vst v63  }
0x2ee: {  	s31 =	simm.s32 $0x15200;
	v3 =	vadd.s32 v1, v3  }
0x2ef: {  	[tilespmem:s31], [sflag:$0x1] =	stream.indirect_vreg.gather [hbm4b:s6+s3], $0x80, v4, vm0, $0xb8;
	[tilespmem:$0x18200] =	vst v63  }
0x2f0: {  	s4 =	simm.s32 $0x15A00  }
0x2f1: {  	[tilespmem:s4], [sflag:$0x1] =	stream.indirect_vreg.gather [hbm4b:s7+s3], $0x80, v4, vm0, $0xb8;
	[tilespmem:$0x18200] =	vst v63  }
0x2f2: {  	s11 =	simm.s32 $0x16200  }
0x2f3: {  	[tilespmem:s11], [sflag:$0x1] =	stream.indirect_vreg.gather [hbm4b:s2+s3], $0x80, v3, vm0, $0xb8;
	[tilespmem:$0x18200] =	vst v63  }
0x2f4: {  	s12 =	simm.s32 $0x16A00  }
0x2f5: {  	[tilespmem:s12], [sflag:$0x1] =	stream.indirect_vreg.gather [hbm4b:s5+s3], $0x80, v3, vm0, $0xb8;
	[tilespmem:$0x18200] =	vst v63  }
0x2f6: {  	s13 =	simm.s32 $0x17200  }
0x2f7: {  	[tilespmem:s13], [sflag:$0x1] =	stream.indirect_vreg.gather [hbm4b:s6+s3], $0x80, v3, vm0, $0xb8;
	[tilespmem:$0x18200] =	vst v63  }
0x2f8: {  	s11 =	simm.s32 $0x17A00  }
0x2f9: {  	[tilespmem:s11], [sflag:$0x1] =	stream.indirect_vreg.gather [hbm4b:s7+s3], $0x80, v3, vm0, $0xb8;
	[tilespmem:$0x18200] =	vst v63  }
0x2fa: {  	_ =	swait.ge [sflag:s9], $0x8000  }
0x2fb: {  	[sflag:s9] =	ssyncset.done $0x0  }
0x2fc: {  	s12 =	rddreg [dreg:$0x11];
	[sflag:s9] =	ssyncadd.s32 $0xFFFF8000  }
0x2fd: {  	[hbm4b:s12+s3] =	stream.linear.scatter [tilespmem:s28], [sflag:$0x2], $0x8000, $0x38;
	[tilespmem:$0x18200] =	vst v63  }
0x2fe: {  	_ =	swait.ge [sflag:s1], $0x8000  }
0x2ff: {  	[sflag:s1] =	ssyncset.done $0x0  }
0x300: {  	[sflag:s1] =	ssyncadd.s32 $0xFFFF8000  }
0x301: {  	v3 =	vld [tilespmem:$0x1E0];
	_ =	sdelay $0x4  }
0x302: {  	v62 =	vshll.u32 v3, $0x3  }
0x303: {  	v3 =	vand.u32 $0x7, v3;
	v4 =	vand.u32 $0xFFFFFFC0, v62  }
0x304: {  	v3 =	vor.u32 v3, v4  }
0x305: {  	v4 =	vperm.xlane v3, v0;
	_ =	sdelay $0x1  }
0x306: {  	v4 =	vadd.s32 v1, v4;
	_ =	sdelay $0x4  }
0x307: {  	[tilespmem:s10], [sflag:$0x1] =	stream.indirect_vreg.gather [hbm4b:s2+s3], $0x80, v4, vm0, $0xb8;
	[tilespmem:$0x18200] =	vst v63  }
0x308: {  	s13 =	simm.s32 $0xA00;
	v3 =	vperm.xlane v3, v2  }
0x309: {  	[tilespmem:s13], [sflag:$0x1] =	stream.indirect_vreg.gather [hbm4b:s5+s3], $0x80, v4, vm0, $0xb8;
	[tilespmem:$0x18200] =	vst v63  }
0x30a: {  	s14 =	simm.s32 $0x1200;
	v3 =	vadd.s32 v1, v3  }
0x30b: {  	[tilespmem:s14], [sflag:$0x1] =	stream.indirect_vreg.gather [hbm4b:s6+s3], $0x80, v4, vm0, $0xb8;
	[tilespmem:$0x18200] =	vst v63  }
0x30c: {  	s26 =	simm.s32 $0x1A00  }
0x30d: {  	[tilespmem:s26], [sflag:$0x1] =	stream.indirect_vreg.gather [hbm4b:s7+s3], $0x80, v4, vm0, $0xb8;
	[tilespmem:$0x18200] =	vst v63  }
0x30e: {  	s15 =	simm.s32 $0x2200  }
0x30f: {  	[tilespmem:s15], [sflag:$0x1] =	stream.indirect_vreg.gather [hbm4b:s2+s3], $0x80, v3, vm0, $0xb8;
	[tilespmem:$0x18200] =	vst v63  }
0x310: {  	s16 =	simm.s32 $0x2A00  }
0x311: {  	[tilespmem:s16], [sflag:$0x1] =	stream.indirect_vreg.gather [hbm4b:s5+s3], $0x80, v3, vm0, $0xb8;
	[tilespmem:$0x18200] =	vst v63  }
0x312: {  	s17 =	simm.s32 $0x3200  }
0x313: {  	[tilespmem:s17], [sflag:$0x1] =	stream.indirect_vreg.gather [hbm4b:s6+s3], $0x80, v3, vm0, $0xb8;
	[tilespmem:$0x18200] =	vst v63  }
0x314: {  	s22 =	simm.s32 $0x3A00  }
0x315: {  	[tilespmem:s22], [sflag:$0x1] =	stream.indirect_vreg.gather [hbm4b:s7+s3], $0x80, v3, vm0, $0xb8;
	[tilespmem:$0x18200] =	vst v63  }
0x316: {  	v3 =	vld [tilespmem:$0x1F0];
	_ =	sdelay $0x4  }
0x317: {  	v63 =	vshll.u32 v3, $0x3  }
0x318: {  	v3 =	vand.u32 $0x7, v3;
	v4 =	vand.u32 $0xFFFFFFC0, v63  }
0x319: {  	v3 =	vor.u32 v3, v4  }
0x31a: {  	v4 =	vperm.xlane v3, v0;
	_ =	sdelay $0x1  }
0x31b: {  	v4 =	vadd.s32 v1, v4;
	_ =	sdelay $0x3  }
0x31c: {  	s23 =	simm.s32 $0x4200  }
0x31d: {  	[tilespmem:s23], [sflag:$0x1] =	stream.indirect_vreg.gather [hbm4b:s2+s3], $0x80, v4, vm0, $0xb8;
	[tilespmem:$0x18200] =	vst v63  }
0x31e: {  	s25 =	simm.s32 $0x4A00;
	v3 =	vperm.xlane v3, v2  }
0x31f: {  	[tilespmem:s25], [sflag:$0x1] =	stream.indirect_vreg.gather [hbm4b:s5+s3], $0x80, v4, vm0, $0xb8;
	[tilespmem:$0x18200] =	vst v63  }
0x320: {  	s18 =	simm.s32 $0x5200;
	v3 =	vadd.s32 v1, v3  }
0x321: {  	[tilespmem:s18], [sflag:$0x1] =	stream.indirect_vreg.gather [hbm4b:s6+s3], $0x80, v4, vm0, $0xb8;
	[tilespmem:$0x18200] =	vst v63  }
0x322: {  	s20 =	simm.s32 $0x5A00  }
0x323: {  	[tilespmem:s20], [sflag:$0x1] =	stream.indirect_vreg.gather [hbm4b:s7+s3], $0x80, v4, vm0, $0xb8;
	[tilespmem:$0x18200] =	vst v63  }
0x324: {  	s21 =	simm.s32 $0x6200  }
0x325: {  	[tilespmem:s21], [sflag:$0x1] =	stream.indirect_vreg.gather [hbm4b:s2+s3], $0x80, v3, vm0, $0xb8;
	[tilespmem:$0x18200] =	vst v63  }
0x326: {  	s19 =	simm.s32 $0x6A00  }
0x327: {  	[tilespmem:s19], [sflag:$0x1] =	stream.indirect_vreg.gather [hbm4b:s5+s3], $0x80, v3, vm0, $0xb8;
	[tilespmem:$0x18200] =	vst v63  }
0x328: {  	s26 =	simm.s32 $0x7200  }
0x329: {  	[tilespmem:s26], [sflag:$0x1] =	stream.indirect_vreg.gather [hbm4b:s6+s3], $0x80, v3, vm0, $0xb8;
	[tilespmem:$0x18200] =	vst v63  }
0x32a: {  	s29 =	simm.s32 $0x7A00  }
0x32b: {  	[tilespmem:s29], [sflag:$0x1] =	stream.indirect_vreg.gather [hbm4b:s7+s3], $0x80, v3, vm0, $0xb8;
	[tilespmem:$0x18200] =	vst v63  }
0x32c: {  	_ =	swait.ge [sflag:s9], $0x8000  }
0x32d: {  	[sflag:s9] =	ssyncset.done $0x0  }
0x32e: {  	s30 =	rddreg [dreg:$0x12];
	[sflag:s9] =	ssyncadd.s32 $0xFFFF8000  }
0x32f: {  	[hbm4b:s30+s3] =	stream.linear.scatter [tilespmem:s24], [sflag:$0x2], $0x8000, $0x38;
	[tilespmem:$0x18200] =	vst v63  }
0x330: {  	_ =	swait.ge [sflag:s9], $0x8000  }
0x331: {  	[sflag:s9] =	ssyncset.done $0x0  }
0x332: {  	s31 =	rddreg [dreg:$0x13];
	[sflag:s9] =	ssyncadd.s32 $0xFFFF8000  }
0x333: {  	[hbm4b:s31+s3] =	stream.linear.scatter [tilespmem:s10], [sflag:$0x2], $0x8000, $0x38;
	[tilespmem:$0x18200] =	vst v63  }
0x334: {  	_ =	swait.ge [sflag:s1], $0x8000  }
0x335: {  	[sflag:s1] =	ssyncset.done $0x0  }
0x336: {  	[sflag:s1] =	ssyncadd.s32 $0xFFFF8000  }
0x337: {  	p0 =	sne.s32 s8, $0x1;
	_ =	swait.ge [sflag:s1], $0x8000  }
.Ltmp0:
0x338: {  	[sflag:s1] =	ssyncset.done $0x0;
	(pc) =	sbr.rel @p0 .LBB2_1-.Ltmp0, $4  }
0x339: {  	[sflag:s1] =	ssyncadd.s32 $0xFFFF8000  }
0x33a: {  	_ =	swait.ge [sflag:s1], $0x8000  }
0x33b: {  	[sflag:s1] =	ssyncset.done $0x0  }
0x33c: {  	s8 =	sadd.s32 $0xFFFFFFFF, s8;
	[sflag:s1] =	ssyncadd.s32 $0xFFFF8000  }
0x33d: {  	_ =	sfence.sel $0x180000  }
0x33e: {  	[bflag:$0x0] =	sbarrier.arrive $0xFFFF  }
0x33f: {  	_ =	strace $0x90000047  }
0x340: {  	s0 =	stileid.u32;
	[bflag:$0x2] =	sbarrier.arrive $0xFFFF  }
0x341: {  	p0 =	sne.s32 s0, $0x0;
	s0 =	rddreg [dreg:$0x3]  }
0x342: {  	s0 =	sadd.s32 @!p0 $0x100000, s0  }
0x343: {  	[sflag:s0] =	ssyncadd.tile.s32 @!p0 $0x1;
	_ =	shalt  }
.Lfunc_end2:
_tile_overlayer_lowered:
.L_overlay_start_2:
0x344: {  	(tag) =	ssettag $0x2  }
0x345: {  	s0 =	rddreg [dreg:$0x0];
	s2 =	stileid.u32  }
0x346: {  	s1 =	rddreg [dreg:$0x1];
	p0 =	sne.s32 s2, $0x0  }
0x347: {  	s3 =	rddreg [dreg:$0x2];
	[bflag:$0x3] =	sbarrier.arrive $0xFFFF;
	s2 =	simm.s32 @!p0 $0x1C03  }
0x348: {  	[timem:s3], [sflag:s2] =	dma.local @!p0 [hbm:s0], s1  }
0x349: {  	s0 =	simm.s32 @!p0 $0x3  }
0x34a: {  	_ =	swait.ge @!p0 [sflag:s0], s1  }
0x34b: {  	s1 =	ssub.s32 @!p0 $0x0, s1;
	[sflag:s0] =	ssyncset.done @!p0 $0x0  }
0x34c: {  	[sflag:s0] =	ssyncadd.s32 @!p0 s1  }
0x34d: {  	[bflag:$0x3] =	sbarrier.arrive $0xFFFF  }
0x34e: {  	_ =	shalt  }

</sc_bundles>
